<compile_context>
chip_gen: v7x
topology: tpu7x:2x2x1
jax: 0.10.2.dev20260603
libtpu: 0.0.44.dev20260713+nightly
codegen_flags: <defaults>
</compile_context>

<pallas_src>
import functools

import jax
import jax.numpy as jnp
from jax import lax
from jax.experimental import pallas as pl
from jax.experimental.pallas import tpu as pltpu
from jax.experimental.pallas import tpu_sc as plsc

BATCH, CIN, HH, WW = 4, 192, 32, 32
ZD, KCB = 32, 8192
NPIX = BATCH * HH * WW
NB = 4096
RT = 128
KC = 2048
NPROG = NPIX // NB
NKC = KCB // KC
NWORK = 32
ROWS_PER_W = NPIX // NWORK
COMMIT_BETA = 1.0


def _vq_tc_body(xf_ref, wt_ref, b_ref, cb_ref, idx_ref, loss_ref,
                cb2_s, cbn_s):
    @pl.when(pl.program_id(0) == 0)
    def _init():
        c = cb_ref[...]
        cb2_s[...] = c * 2.0
        cbn_s[...] = lax.dot_general(
            jnp.ones((1, ZD), jnp.float32), c * c,
            (((1,), (1,)), ((), ())), preferred_element_type=jnp.float32)

    z = jnp.dot(xf_ref[...], wt_ref[...],
                preferred_element_type=jnp.float32) + b_ref[...]
    a = jnp.sum(z * z, axis=1, keepdims=True)
    lanef = lax.broadcasted_iota(jnp.int32, (NB, 128), 1).astype(jnp.float32)

    v = jnp.full((NB, 128), jnp.inf, jnp.float32)
    bi = jnp.zeros((NB, 128), jnp.float32)
    for k in range(NKC):
        cb2c = cb2_s[k * KC:(k + 1) * KC, :]
        m2x2 = lax.dot_general(z, cb2c, (((1,), (1,)), ((), ())),
                               preferred_element_type=jnp.float32)
        cbnc = cbn_s[:, k * KC:(k + 1) * KC]
        for j in range(KC // 128):
            dj = a - m2x2[:, j * 128:(j + 1) * 128] + cbnc[:, j * 128:(j + 1) * 128]
            c = dj < v
            v = jnp.minimum(v, dj)
            bi = jnp.where(c, float(k * (KC // 128) + j), bi)
    col = bi * 128.0 + lanef
    mv = jnp.min(v, axis=1, keepdims=True)
    mi = jnp.min(jnp.where(v == mv, col, float(KCB)), axis=1, keepdims=True)
    idx_ref[...] = mi.astype(jnp.int32)
    loss_ref[...] = jnp.full((1, 1, 128), jnp.sum(mv), dtype=jnp.float32)


def _sc_gather_body(cb_hbm, idx_hbm, out_hbm, idx_a, idx_b, rows_a, rows_b,
                    sem_a, sem_b, sem_sa, sem_sb):
    wid = lax.axis_index("s") * 2 + lax.axis_index("c")
    base = wid * ROWS_PER_W
    half = ROWS_PER_W // 2
    pltpu.sync_copy(idx_hbm.at[pl.ds(base, half)], idx_a)
    cpa = pltpu.async_copy(cb_hbm.at[idx_a], rows_a, sem_a)
    pltpu.sync_copy(idx_hbm.at[pl.ds(base + half, half)], idx_b)
    cpb = pltpu.async_copy(cb_hbm.at[idx_b], rows_b, sem_b)
    cpa.wait()
    sta = pltpu.async_copy(rows_a, out_hbm.at[pl.ds(base, half)], sem_sa)
    cpb.wait()
    stb = pltpu.async_copy(rows_b, out_hbm.at[pl.ds(base + half, half)], sem_sb)
    sta.wait()
    stb.wait()


def kernel(x, conv_w, conv_b, codebook):
    w = conv_w[:, :, 0, 0]
    xf = jnp.transpose(x, (0, 2, 3, 1)).reshape(NPIX, CIN)
    wt = jnp.transpose(w)
    b2 = conv_b.reshape(1, ZD)

    idx2, lossp = pl.pallas_call(
        _vq_tc_body,
        grid=(NPROG,),
        in_specs=[
            pl.BlockSpec((NB, CIN), lambda i: (i, 0)),
            pl.BlockSpec((CIN, ZD), lambda i: (0, 0)),
            pl.BlockSpec((1, ZD), lambda i: (0, 0)),
            pl.BlockSpec((KCB, ZD), lambda i: (0, 0)),
        ],
        out_specs=[
            pl.BlockSpec((NB, 1), lambda i: (i, 0)),
            pl.BlockSpec((1, 1, 128), lambda i: (i, 0, 0)),
        ],
        out_shape=[
            jax.ShapeDtypeStruct((NPIX, 1), jnp.int32),
            jax.ShapeDtypeStruct((NPROG, 1, 128), jnp.float32),
        ],
        scratch_shapes=[
            pltpu.VMEM((KCB, ZD), jnp.float32),
            pltpu.VMEM((1, KCB), jnp.float32),
        ],
    )(xf, wt, b2, codebook)

    idx = idx2.reshape(NPIX)
    mesh = plsc.VectorSubcoreMesh(core_axis_name="c", subcore_axis_name="s")
    gather = functools.partial(
        pl.kernel, mesh=mesh,
        compiler_params=pltpu.CompilerParams(use_tc_tiling_on_sc=False),
        out_type=jax.ShapeDtypeStruct((NPIX, ZD), jnp.float32),
        scratch_types=[
            pltpu.VMEM((ROWS_PER_W // 2,), jnp.int32),
            pltpu.VMEM((ROWS_PER_W // 2,), jnp.int32),
            pltpu.VMEM((ROWS_PER_W // 2, ZD), jnp.float32),
            pltpu.VMEM((ROWS_PER_W // 2, ZD), jnp.float32),
            pltpu.SemaphoreType.DMA,
            pltpu.SemaphoreType.DMA,
            pltpu.SemaphoreType.DMA,
            pltpu.SemaphoreType.DMA,
        ],
    )(_sc_gather_body)
    z_q = gather(codebook, idx)

    z_q_out = jnp.transpose(z_q.reshape(BATCH, HH, WW, ZD), (0, 3, 1, 2))
    loss = (1.0 + COMMIT_BETA) * jnp.sum(lossp[:, 0, 0]) / (NPIX * ZD)
    return z_q_out, loss

# --- scband reference (transcript-rebuilt; emitter-appended) ---
"""Pipeline reference for scband-vqmodulator-86912958202562 (READ-ONLY COPY).

The authoritative reference and input builder live on the scoring server;
editing this copy changes nothing except your own understanding.
"""

import jax, jax.numpy as jnp
import numpy as np

B, C, H, W = 4, 192, 32, 32
Z_DIM, K = 32, 8192
BETA = 1.0


def setup_inputs(seed: int = 0) -> dict:
    key = jax.random.key(seed)
    k1, k2, k3 = jax.random.split(key, 3)
    x = jax.random.normal(k1, (B, C, H, W), dtype=jnp.float32)
    conv_w = jax.random.normal(k2, (Z_DIM, C, 1, 1), dtype=jnp.float32) * 0.02
    conv_b = jnp.zeros((Z_DIM,), dtype=jnp.float32)
    codebook = jax.random.uniform(k3, (K, Z_DIM), minval=-1.0 / K, maxval=1.0 / K, dtype=jnp.float32)
    return {"x": x, "conv_w": conv_w, "conv_b": conv_b, "codebook": codebook}


def reference(x, conv_w, conv_b, codebook):
    # VQmodulator: 1x1 conv projection of feature map into code space,
    # followed by VectorQuantizer2DHS-style L2 nearest-codebook quantization
    # with commitment loss and straight-through estimator.
    w = conv_w[:, :, 0, 0]  # [z_dim, C]
    z = jnp.einsum('bchw,dc->bdhw', x, w) + conv_b[None, :, None, None]
    # b c h w -> b h w c
    z_perm = jnp.transpose(z, (0, 2, 3, 1))
    flat = z_perm.reshape(-1, z_perm.shape[-1])  # [N, z_dim]
    # squared L2 distances to every codebook entry
    d = (jnp.sum(flat ** 2, axis=1, keepdims=True)
         - 2.0 * flat @ codebook.T
         + jnp.sum(codebook ** 2, axis=1)[None, :])  # [N, K]
    idx = jnp.argmin(d, axis=1)  # [N]
    z_q = jnp.take(codebook, idx, axis=0).reshape(z_perm.shape)
    # codebook + commitment loss
    loss = (BETA * jnp.mean((jax.lax.stop_gradient(z_q) - z_perm) ** 2)
            + jnp.mean((z_q - jax.lax.stop_gradient(z_perm)) ** 2))
    # straight-through
    z_q_st = z_perm + jax.lax.stop_gradient(z_q - z_perm)
    z_q_out = jnp.transpose(z_q_st, (0, 3, 1, 2))  # back to b c h w
    return z_q_out, loss

if __name__ == "__main__":
    import jax
    _d = setup_inputs()
    print(jax.jit(kernel)(*tuple(_d.values())))

</pallas_src>

<mosaic_0001>
#map = affine_map<(d0, d1) -> (0, 0)>
#map1 = affine_map<(d0, d1) -> (0)>
module attributes {stable_mosaic.version = 14 : i64} {
  func.func @_sc_gather_body(%arg0: i32, %arg1: i32, %arg2: memref<8192x32xf32, #tpu.memory_space<hbm>>, %arg3: memref<4096xi32, #tpu.memory_space<hbm>>, %arg4: memref<4096x32xf32, #tpu.memory_space<hbm>>, %arg5: memref<64xi32, #tpu.memory_space<vmem>>, %arg6: memref<64xi32, #tpu.memory_space<vmem>>, %arg7: memref<64x32xf32, #tpu.memory_space<vmem>>, %arg8: memref<64x32xf32, #tpu.memory_space<vmem>>, %arg9: memref<!tpu.dma_semaphore, #tpu.memory_space<semaphore_mem>>, %arg10: memref<!tpu.dma_semaphore, #tpu.memory_space<semaphore_mem>>, %arg11: memref<!tpu.dma_semaphore, #tpu.memory_space<semaphore_mem>>, %arg12: memref<!tpu.dma_semaphore, #tpu.memory_space<semaphore_mem>>) attributes {dimension_semantics = [#tpu.dimension_semantics<core_parallel>, #tpu.dimension_semantics<subcore_parallel>], iteration_bounds = array<i64: 2, 16>, scalar_prefetch = 0 : i64, scratch_operands = 8 : i64, tpu.core_type = #tpu.core_type<sc_vector_subcore>, window_params = [{transform_indices = #map}, {transform_indices = #map1}, {transform_indices = #map}]} {
    %mul3A = arith.constant 2 : i32
    %mul3A_0 = arith.muli %arg1, %mul3A : i32
    %add3A = arith.addi %mul3A_0, %arg0 : i32
    %mul3A_1 = arith.constant 128 : i32
    %mul3A_2 = arith.muli %add3A, %mul3A_1 : i32
    "tpu.region"() ({
      %run_scoped3A = tpu.sem_alloc : memref<!tpu.dma_semaphore, #tpu.memory_space<semaphore_mem>>
      %dma_start3A_33 = tpu.memref_slice %arg3[%mul3A_2] : memref<4096xi32, #tpu.memory_space<hbm>> -> memref<64xi32, #tpu.memory_space<hbm>>
      %dma_start3A_34 = tpu.memref_slice %arg3[%mul3A_2] : memref<4096xi32, #tpu.memory_space<hbm>> -> memref<64xi32, #tpu.memory_space<hbm>>
      tpu.enqueue_dma source(%dma_start3A_34 : memref<64xi32, #tpu.memory_space<hbm>>) target(%arg5 : memref<64xi32, #tpu.memory_space<vmem>>) target_semaphore(%run_scoped3A : memref<!tpu.dma_semaphore, #tpu.memory_space<semaphore_mem>>)
      %dma_wait3A_35 = tpu.memref_slice %arg3[%mul3A_2] : memref<4096xi32, #tpu.memory_space<hbm>> -> memref<64xi32, #tpu.memory_space<hbm>>
      %dma_wait3A_36 = tpu.memref_slice %arg3[%mul3A_2] : memref<4096xi32, #tpu.memory_space<hbm>> -> memref<64xi32, #tpu.memory_space<hbm>>
      tpu.wait_dma2 semaphore(%run_scoped3A : memref<!tpu.dma_semaphore, #tpu.memory_space<semaphore_mem>>) src(%dma_wait3A_36 : memref<64xi32, #tpu.memory_space<hbm>>) dst(%arg5 : memref<64xi32, #tpu.memory_space<vmem>>)
      tpu.yield
    }) : () -> ()
    %dma_start3A = arith.constant 0 : i32
    %dma_start3A_3 = arith.constant 0 : i32
    %dma_start3A_4 = tpu.memref_slice %arg2[%dma_start3A, %dma_start3A_3] : memref<8192x32xf32, #tpu.memory_space<hbm>> -> memref<8192x32xf32, #tpu.memory_space<hbm>>
    tpu.enqueue_indirect_dma source(%dma_start3A_4 : memref<8192x32xf32, #tpu.memory_space<hbm>>) target(%arg7 : memref<64x32xf32, #tpu.memory_space<vmem>>) offsets(%arg5 : memref<64xi32, #tpu.memory_space<vmem>>) semaphore(%arg9 : memref<!tpu.dma_semaphore, #tpu.memory_space<semaphore_mem>>)
    %add3A_5 = arith.constant 64 : i32
    %add3A_6 = arith.addi %mul3A_2, %add3A_5 : i32
    "tpu.region"() ({
      %run_scoped3A = tpu.sem_alloc : memref<!tpu.dma_semaphore, #tpu.memory_space<semaphore_mem>>
      %dma_start3A_33 = tpu.memref_slice %arg3[%add3A_6] : memref<4096xi32, #tpu.memory_space<hbm>> -> memref<64xi32, #tpu.memory_space<hbm>>
      %dma_start3A_34 = tpu.memref_slice %arg3[%add3A_6] : memref<4096xi32, #tpu.memory_space<hbm>> -> memref<64xi32, #tpu.memory_space<hbm>>
      tpu.enqueue_dma source(%dma_start3A_34 : memref<64xi32, #tpu.memory_space<hbm>>) target(%arg6 : memref<64xi32, #tpu.memory_space<vmem>>) target_semaphore(%run_scoped3A : memref<!tpu.dma_semaphore, #tpu.memory_space<semaphore_mem>>)
      %dma_wait3A_35 = tpu.memref_slice %arg3[%add3A_6] : memref<4096xi32, #tpu.memory_space<hbm>> -> memref<64xi32, #tpu.memory_space<hbm>>
      %dma_wait3A_36 = tpu.memref_slice %arg3[%add3A_6] : memref<4096xi32, #tpu.memory_space<hbm>> -> memref<64xi32, #tpu.memory_space<hbm>>
      tpu.wait_dma2 semaphore(%run_scoped3A : memref<!tpu.dma_semaphore, #tpu.memory_space<semaphore_mem>>) src(%dma_wait3A_36 : memref<64xi32, #tpu.memory_space<hbm>>) dst(%arg6 : memref<64xi32, #tpu.memory_space<vmem>>)
      tpu.yield
    }) : () -> ()
    %dma_start3A_7 = arith.constant 0 : i32
    %dma_start3A_8 = arith.constant 0 : i32
    %dma_start3A_9 = tpu.memref_slice %arg2[%dma_start3A_7, %dma_start3A_8] : memref<8192x32xf32, #tpu.memory_space<hbm>> -> memref<8192x32xf32, #tpu.memory_space<hbm>>
    tpu.enqueue_indirect_dma source(%dma_start3A_9 : memref<8192x32xf32, #tpu.memory_space<hbm>>) target(%arg8 : memref<64x32xf32, #tpu.memory_space<vmem>>) offsets(%arg6 : memref<64xi32, #tpu.memory_space<vmem>>) semaphore(%arg10 : memref<!tpu.dma_semaphore, #tpu.memory_space<semaphore_mem>>)
    %dma_wait3A = arith.constant 0 : i32
    %dma_wait3A_10 = arith.constant 0 : i32
    %dma_wait3A_11 = tpu.memref_slice %arg2[%dma_wait3A, %dma_wait3A_10] : memref<8192x32xf32, #tpu.memory_space<hbm>> -> memref<8192x32xf32, #tpu.memory_space<hbm>>
    tpu.wait_indirect_dma semaphore(%arg9 : memref<!tpu.dma_semaphore, #tpu.memory_space<semaphore_mem>>) src(%dma_wait3A_11 : memref<8192x32xf32, #tpu.memory_space<hbm>>) dst(%arg7 : memref<64x32xf32, #tpu.memory_space<vmem>>)
    %dma_start3A_12 = arith.constant 0 : i32
    %dma_start3A_13 = tpu.memref_slice %arg4[%mul3A_2, %dma_start3A_12] : memref<4096x32xf32, #tpu.memory_space<hbm>> -> memref<64x32xf32, #tpu.memory_space<hbm>>
    %dma_start3A_14 = arith.constant 0 : i32
    %dma_start3A_15 = tpu.memref_slice %arg4[%mul3A_2, %dma_start3A_14] : memref<4096x32xf32, #tpu.memory_space<hbm>> -> memref<64x32xf32, #tpu.memory_space<hbm>>
    tpu.enqueue_dma source(%arg7 : memref<64x32xf32, #tpu.memory_space<vmem>>) target(%dma_start3A_15 : memref<64x32xf32, #tpu.memory_space<hbm>>) target_semaphore(%arg11 : memref<!tpu.dma_semaphore, #tpu.memory_space<semaphore_mem>>)
    %dma_wait3A_16 = arith.constant 0 : i32
    %dma_wait3A_17 = arith.constant 0 : i32
    %dma_wait3A_18 = tpu.memref_slice %arg2[%dma_wait3A_16, %dma_wait3A_17] : memref<8192x32xf32, #tpu.memory_space<hbm>> -> memref<8192x32xf32, #tpu.memory_space<hbm>>
    tpu.wait_indirect_dma semaphore(%arg10 : memref<!tpu.dma_semaphore, #tpu.memory_space<semaphore_mem>>) src(%dma_wait3A_18 : memref<8192x32xf32, #tpu.memory_space<hbm>>) dst(%arg8 : memref<64x32xf32, #tpu.memory_space<vmem>>)
    %add3A_19 = arith.constant 64 : i32
    %add3A_20 = arith.addi %mul3A_2, %add3A_19 : i32
    %dma_start3A_21 = arith.constant 0 : i32
    %dma_start3A_22 = tpu.memref_slice %arg4[%add3A_20, %dma_start3A_21] : memref<4096x32xf32, #tpu.memory_space<hbm>> -> memref<64x32xf32, #tpu.memory_space<hbm>>
    %dma_start3A_23 = arith.constant 0 : i32
    %dma_start3A_24 = tpu.memref_slice %arg4[%add3A_20, %dma_start3A_23] : memref<4096x32xf32, #tpu.memory_space<hbm>> -> memref<64x32xf32, #tpu.memory_space<hbm>>
    tpu.enqueue_dma source(%arg8 : memref<64x32xf32, #tpu.memory_space<vmem>>) target(%dma_start3A_24 : memref<64x32xf32, #tpu.memory_space<hbm>>) target_semaphore(%arg12 : memref<!tpu.dma_semaphore, #tpu.memory_space<semaphore_mem>>)
    %dma_wait3A_25 = arith.constant 0 : i32
    %dma_wait3A_26 = tpu.memref_slice %arg4[%mul3A_2, %dma_wait3A_25] : memref<4096x32xf32, #tpu.memory_space<hbm>> -> memref<64x32xf32, #tpu.memory_space<hbm>>
    %dma_wait3A_27 = arith.constant 0 : i32
    %dma_wait3A_28 = tpu.memref_slice %arg4[%mul3A_2, %dma_wait3A_27] : memref<4096x32xf32, #tpu.memory_space<hbm>> -> memref<64x32xf32, #tpu.memory_space<hbm>>
    tpu.wait_dma2 semaphore(%arg11 : memref<!tpu.dma_semaphore, #tpu.memory_space<semaphore_mem>>) src(%arg7 : memref<64x32xf32, #tpu.memory_space<vmem>>) dst(%dma_wait3A_28 : memref<64x32xf32, #tpu.memory_space<hbm>>)
    %dma_wait3A_29 = arith.constant 0 : i32
    %dma_wait3A_30 = tpu.memref_slice %arg4[%add3A_20, %dma_wait3A_29] : memref<4096x32xf32, #tpu.memory_space<hbm>> -> memref<64x32xf32, #tpu.memory_space<hbm>>
    %dma_wait3A_31 = arith.constant 0 : i32
    %dma_wait3A_32 = tpu.memref_slice %arg4[%add3A_20, %dma_wait3A_31] : memref<4096x32xf32, #tpu.memory_space<hbm>> -> memref<64x32xf32, #tpu.memory_space<hbm>>
    tpu.wait_dma2 semaphore(%arg12 : memref<!tpu.dma_semaphore, #tpu.memory_space<semaphore_mem>>) src(%arg8 : memref<64x32xf32, #tpu.memory_space<vmem>>) dst(%dma_wait3A_32 : memref<64x32xf32, #tpu.memory_space<hbm>>)
    return
  }
}

module attributes {stable_mosaic.version = 14 : i64} {
  func.func @_vq_tc_body(%arg0: i32, %arg1: memref<4096x192xf32, #tpu.memory_space<vmem>>, %arg2: memref<192x32xf32, #tpu.memory_space<vmem>>, %arg3: memref<1x32xf32, #tpu.memory_space<vmem>>, %arg4: memref<8192x32xf32, #tpu.memory_space<vmem>>, %arg5: memref<4096x1xi32, #tpu.memory_space<vmem>>, %arg6: memref<1x1x128xf32, #tpu.memory_space<vmem>>, %arg7: memref<8192x32xf32, #tpu.memory_space<vmem>>, %arg8: memref<1x8192xf32, #tpu.memory_space<vmem>>) attributes {dimension_semantics = [#tpu.dimension_semantics<arbitrary>], iteration_bounds = array<i64: 1>, scalar_prefetch = 0 : i64, scratch_operands = 2 : i64, tpu.core_type = #tpu.core_type<tc>, window_params = [{transform_indices = @transform_0, window_bounds = array<i64: 4096, 192>}, {pipeline_mode = #tpu.pipeline_mode<synchronous>, transform_indices = @transform_1, window_bounds = array<i64: 192, 32>}, {pipeline_mode = #tpu.pipeline_mode<synchronous>, transform_indices = @transform_2, window_bounds = array<i64: 1, 32>}, {pipeline_mode = #tpu.pipeline_mode<synchronous>, transform_indices = @transform_3, window_bounds = array<i64: 8192, 32>}, {transform_indices = @transform_4, window_bounds = array<i64: 4096, 1>}, {transform_indices = @transform_5, window_bounds = array<i64: 1, 1, 128>}]} {
    %eq3A = arith.constant 0 : i32
    %eq3A_0 = arith.cmpi eq, %arg0, %eq3A : i32
    %convert_element_type3A = arith.extui %eq3A_0 : i1 to i32
    %cond3A = arith.constant 0 : i32
    %cond3A_1 = arith.cmpi ne, %convert_element_type3A, %cond3A : i32
    scf.if %cond3A_1 {
      %get3A_775 = arith.constant 0 : index
      %get3A_776 = arith.constant 0 : index
      %get3A_777 = vector.load %arg4[%get3A_775, %get3A_776] : memref<8192x32xf32, #tpu.memory_space<vmem>>, vector<8192x32xf32>
      %mul3A_778 = arith.constant 2.000000e+00 : f32
      %mul3A_779 = vector.broadcast %mul3A_778 : f32 to vector<8192x32xf32>
      %mul3A_780 = arith.mulf %get3A_777, %mul3A_779 : vector<8192x32xf32>
      %swap3A_781 = arith.constant 0 : index
      %swap3A_782 = arith.constant 0 : index
      %swap3A_783 = vector.load %arg7[%swap3A_781, %swap3A_782] : memref<8192x32xf32, #tpu.memory_space<vmem>>, vector<8192x32xf32>
      tpu.vector_store %arg7[%swap3A_781, %swap3A_782], %mul3A_780 {strides = array<i32>} : memref<8192x32xf32, #tpu.memory_space<vmem>>, vector<8192x32xf32>,
      %broadcast_in_dim3A_784 = arith.constant 1.000000e+00 : f32
      %broadcast_in_dim3A_785 = vector.broadcast %broadcast_in_dim3A_784 : f32 to vector<1x32xf32>
      %mul3A_786 = arith.mulf %get3A_777, %get3A_777 : vector<8192x32xf32>
      %dot_general3A_787 = arith.constant dense<0.000000e+00> : vector<1x8192xf32>
      %dot_general3A_788 = tpu.matmul %broadcast_in_dim3A_785, %mul3A_786, %dot_general3A_787 {dimension_numbers = #tpu.dot_dimension_numbers<[1], [1], [0], [0], [0, 0, 1, 0], [], []>, transpose_lhs_hint = false} : vector<1x32xf32>, vector<8192x32xf32>, vector<1x8192xf32> -> vector<1x8192xf32>
      %swap3A_789 = arith.constant 0 : index
      %swap3A_790 = arith.constant 0 : index
      %swap3A_791 = vector.load %arg8[%swap3A_789, %swap3A_790] : memref<1x8192xf32, #tpu.memory_space<vmem>>, vector<1x8192xf32>
      tpu.vector_store %arg8[%swap3A_789, %swap3A_790], %dot_general3A_788 {strides = array<i32>} : memref<1x8192xf32, #tpu.memory_space<vmem>>, vector<1x8192xf32>,
    } else {
    }
    %get3A = arith.constant 0 : index
    %get3A_2 = arith.constant 0 : index
    %get3A_3 = vector.load %arg1[%get3A, %get3A_2] : memref<4096x192xf32, #tpu.memory_space<vmem>>, vector<4096x192xf32>
    %get3A_4 = arith.constant 0 : index
    %get3A_5 = arith.constant 0 : index
    %get3A_6 = vector.load %arg2[%get3A_4, %get3A_5] : memref<192x32xf32, #tpu.memory_space<vmem>>, vector<192x32xf32>
    %dot_general3A = arith.constant dense<0.000000e+00> : vector<4096x32xf32>
    %dot_general3A_7 = tpu.matmul %get3A_3, %get3A_6, %dot_general3A {dimension_numbers = #tpu.dot_dimension_numbers<[1], [0], [0], [1], [0, 0, 1, 1], [], []>, transpose_lhs_hint = false} : vector<4096x192xf32>, vector<192x32xf32>, vector<4096x32xf32> -> vector<4096x32xf32>
    %get3A_8 = arith.constant 0 : index
    %get3A_9 = arith.constant 0 : index
    %get3A_10 = vector.load %arg3[%get3A_8, %get3A_9] : memref<1x32xf32, #tpu.memory_space<vmem>>, vector<1x32xf32>
    %add3A = vector.broadcast %get3A_10 : vector<1x32xf32> to vector<4096x32xf32>
    %add3A_11 = arith.addf %dot_general3A_7, %add3A : vector<4096x32xf32>
    %mul3A = arith.mulf %add3A_11, %add3A_11 : vector<4096x32xf32>
    %reduce_sum3A = arith.constant dense<0.000000e+00> : vector<4096xf32>
    %reduce_sum3A_12 = vector.multi_reduction <add>, %mul3A, %reduce_sum3A [1] : vector<4096x32xf32> to vector<4096xf32>
    %broadcast_in_dim3A = vector.shape_cast %reduce_sum3A_12 : vector<4096xf32> to vector<4096x1xf32>
    %iota3A = tpu.iota {dimensions = array<i32: 1>} : vector<4096x128xi32>
    %convert_element_type3A_13 = arith.sitofp %iota3A : vector<4096x128xi32> to vector<4096x128xf32>
    %broadcast_in_dim3A_14 = arith.constant 0x7F800000 : f32
    %broadcast_in_dim3A_15 = vector.broadcast %broadcast_in_dim3A_14 : f32 to vector<4096x128xf32>
    %broadcast_in_dim3A_16 = arith.constant 0.000000e+00 : f32
    %broadcast_in_dim3A_17 = vector.broadcast %broadcast_in_dim3A_16 : f32 to vector<4096x128xf32>
    %get3A_18 = arith.constant 0 : index
    %get3A_19 = arith.constant 0 : index
    %get3A_20 = vector.load %arg7[%get3A_18, %get3A_19] : memref<8192x32xf32, #tpu.memory_space<vmem>>, vector<2048x32xf32>
    %dot_general3A_21 = arith.constant dense<0.000000e+00> : vector<4096x2048xf32>
    %dot_general3A_22 = tpu.matmul %add3A_11, %get3A_20, %dot_general3A_21 {dimension_numbers = #tpu.dot_dimension_numbers<[1], [1], [0], [0], [0, 0, 1, 0], [], []>, transpose_lhs_hint = false} : vector<4096x32xf32>, vector<2048x32xf32>, vector<4096x2048xf32> -> vector<4096x2048xf32>
    %get3A_23 = arith.constant 0 : index
    %get3A_24 = arith.constant 0 : index
    %get3A_25 = vector.load %arg8[%get3A_23, %get3A_24] : memref<1x8192xf32, #tpu.memory_space<vmem>>, vector<1x2048xf32>
    %slice3A = vector.extract_strided_slice %dot_general3A_22 {offsets = [0, 0], sizes = [4096, 128], strides = [1, 1]} : vector<4096x2048xf32> to vector<4096x128xf32>
    %sub3A = vector.broadcast %broadcast_in_dim3A : vector<4096x1xf32> to vector<4096x128xf32>
    %sub3A_26 = arith.subf %sub3A, %slice3A : vector<4096x128xf32>
    %slice3A_27 = vector.extract_strided_slice %get3A_25 {offsets = [0, 0], sizes = [1, 128], strides = [1, 1]} : vector<1x2048xf32> to vector<1x128xf32>
    %add3A_28 = vector.broadcast %slice3A_27 : vector<1x128xf32> to vector<4096x128xf32>
    %add3A_29 = arith.addf %sub3A_26, %add3A_28 : vector<4096x128xf32>
    %lt3A = arith.cmpf olt, %add3A_29, %broadcast_in_dim3A_15 : vector<4096x128xf32>
    %min3A = arith.minimumf %broadcast_in_dim3A_15, %add3A_29 : vector<4096x128xf32>
    %jit3A = arith.constant 0.000000e+00 : f32
    %broadcast_in_dim3A_30 = vector.broadcast %jit3A : f32 to vector<4096x128xf32>
    %select_n3A = arith.select %lt3A, %broadcast_in_dim3A_30, %broadcast_in_dim3A_17 : vector<4096x128xi1>, vector<4096x128xf32>
    %slice3A_31 = vector.extract_strided_slice %dot_general3A_22 {offsets = [0, 128], sizes = [4096, 128], strides = [1, 1]} : vector<4096x2048xf32> to vector<4096x128xf32>
    %sub3A_32 = vector.broadcast %broadcast_in_dim3A : vector<4096x1xf32> to vector<4096x128xf32>
    %sub3A_33 = arith.subf %sub3A_32, %slice3A_31 : vector<4096x128xf32>
    %slice3A_34 = vector.extract_strided_slice %get3A_25 {offsets = [0, 128], sizes = [1, 128], strides = [1, 1]} : vector<1x2048xf32> to vector<1x128xf32>
    %add3A_35 = vector.broadcast %slice3A_34 : vector<1x128xf32> to vector<4096x128xf32>
    %add3A_36 = arith.addf %sub3A_33, %add3A_35 : vector<4096x128xf32>
    %lt3A_37 = arith.cmpf olt, %add3A_36, %min3A : vector<4096x128xf32>
    %min3A_38 = arith.minimumf %min3A, %add3A_36 : vector<4096x128xf32>
    %jit3A_39 = arith.constant 1.000000e+00 : f32
    %broadcast_in_dim3A_40 = vector.broadcast %jit3A_39 : f32 to vector<4096x128xf32>
    %select_n3A_41 = arith.select %lt3A_37, %broadcast_in_dim3A_40, %select_n3A : vector<4096x128xi1>, vector<4096x128xf32>
    %slice3A_42 = vector.extract_strided_slice %dot_general3A_22 {offsets = [0, 256], sizes = [4096, 128], strides = [1, 1]} : vector<4096x2048xf32> to vector<4096x128xf32>
    %sub3A_43 = vector.broadcast %broadcast_in_dim3A : vector<4096x1xf32> to vector<4096x128xf32>
    %sub3A_44 = arith.subf %sub3A_43, %slice3A_42 : vector<4096x128xf32>
    %slice3A_45 = vector.extract_strided_slice %get3A_25 {offsets = [0, 256], sizes = [1, 128], strides = [1, 1]} : vector<1x2048xf32> to vector<1x128xf32>
    %add3A_46 = vector.broadcast %slice3A_45 : vector<1x128xf32> to vector<4096x128xf32>
    %add3A_47 = arith.addf %sub3A_44, %add3A_46 : vector<4096x128xf32>
    %lt3A_48 = arith.cmpf olt, %add3A_47, %min3A_38 : vector<4096x128xf32>
    %min3A_49 = arith.minimumf %min3A_38, %add3A_47 : vector<4096x128xf32>
    %jit3A_50 = arith.constant 2.000000e+00 : f32
    %broadcast_in_dim3A_51 = vector.broadcast %jit3A_50 : f32 to vector<4096x128xf32>
    %select_n3A_52 = arith.select %lt3A_48, %broadcast_in_dim3A_51, %select_n3A_41 : vector<4096x128xi1>, vector<4096x128xf32>
    %slice3A_53 = vector.extract_strided_slice %dot_general3A_22 {offsets = [0, 384], sizes = [4096, 128], strides = [1, 1]} : vector<4096x2048xf32> to vector<4096x128xf32>
    %sub3A_54 = vector.broadcast %broadcast_in_dim3A : vector<4096x1xf32> to vector<4096x128xf32>
    %sub3A_55 = arith.subf %sub3A_54, %slice3A_53 : vector<4096x128xf32>
    %slice3A_56 = vector.extract_strided_slice %get3A_25 {offsets = [0, 384], sizes = [1, 128], strides = [1, 1]} : vector<1x2048xf32> to vector<1x128xf32>
    %add3A_57 = vector.broadcast %slice3A_56 : vector<1x128xf32> to vector<4096x128xf32>
    %add3A_58 = arith.addf %sub3A_55, %add3A_57 : vector<4096x128xf32>
    %lt3A_59 = arith.cmpf olt, %add3A_58, %min3A_49 : vector<4096x128xf32>
    %min3A_60 = arith.minimumf %min3A_49, %add3A_58 : vector<4096x128xf32>
    %jit3A_61 = arith.constant 3.000000e+00 : f32
    %broadcast_in_dim3A_62 = vector.broadcast %jit3A_61 : f32 to vector<4096x128xf32>
    %select_n3A_63 = arith.select %lt3A_59, %broadcast_in_dim3A_62, %select_n3A_52 : vector<4096x128xi1>, vector<4096x128xf32>
    %slice3A_64 = vector.extract_strided_slice %dot_general3A_22 {offsets = [0, 512], sizes = [4096, 128], strides = [1, 1]} : vector<4096x2048xf32> to vector<4096x128xf32>
    %sub3A_65 = vector.broadcast %broadcast_in_dim3A : vector<4096x1xf32> to vector<4096x128xf32>
    %sub3A_66 = arith.subf %sub3A_65, %slice3A_64 : vector<4096x128xf32>
    %slice3A_67 = vector.extract_strided_slice %get3A_25 {offsets = [0, 512], sizes = [1, 128], strides = [1, 1]} : vector<1x2048xf32> to vector<1x128xf32>
    %add3A_68 = vector.broadcast %slice3A_67 : vector<1x128xf32> to vector<4096x128xf32>
    %add3A_69 = arith.addf %sub3A_66, %add3A_68 : vector<4096x128xf32>
    %lt3A_70 = arith.cmpf olt, %add3A_69, %min3A_60 : vector<4096x128xf32>
    %min3A_71 = arith.minimumf %min3A_60, %add3A_69 : vector<4096x128xf32>
    %jit3A_72 = arith.constant 4.000000e+00 : f32
    %broadcast_in_dim3A_73 = vector.broadcast %jit3A_72 : f32 to vector<4096x128xf32>
    %select_n3A_74 = arith.select %lt3A_70, %broadcast_in_dim3A_73, %select_n3A_63 : vector<4096x128xi1>, vector<4096x128xf32>
    %slice3A_75 = vector.extract_strided_slice %dot_general3A_22 {offsets = [0, 640], sizes = [4096, 128], strides = [1, 1]} : vector<4096x2048xf32> to vector<4096x128xf32>
    %sub3A_76 = vector.broadcast %broadcast_in_dim3A : vector<4096x1xf32> to vector<4096x128xf32>
    %sub3A_77 = arith.subf %sub3A_76, %slice3A_75 : vector<4096x128xf32>
    %slice3A_78 = vector.extract_strided_slice %get3A_25 {offsets = [0, 640], sizes = [1, 128], strides = [1, 1]} : vector<1x2048xf32> to vector<1x128xf32>
    %add3A_79 = vector.broadcast %slice3A_78 : vector<1x128xf32> to vector<4096x128xf32>
    %add3A_80 = arith.addf %sub3A_77, %add3A_79 : vector<4096x128xf32>
    %lt3A_81 = arith.cmpf olt, %add3A_80, %min3A_71 : vector<4096x128xf32>
    %min3A_82 = arith.minimumf %min3A_71, %add3A_80 : vector<4096x128xf32>
    %jit3A_83 = arith.constant 5.000000e+00 : f32
    %broadcast_in_dim3A_84 = vector.broadcast %jit3A_83 : f32 to vector<4096x128xf32>
    %select_n3A_85 = arith.select %lt3A_81, %broadcast_in_dim3A_84, %select_n3A_74 : vector<4096x128xi1>, vector<4096x128xf32>
    %slice3A_86 = vector.extract_strided_slice %dot_general3A_22 {offsets = [0, 768], sizes = [4096, 128], strides = [1, 1]} : vector<4096x2048xf32> to vector<4096x128xf32>
    %sub3A_87 = vector.broadcast %broadcast_in_dim3A : vector<4096x1xf32> to vector<4096x128xf32>
    %sub3A_88 = arith.subf %sub3A_87, %slice3A_86 : vector<4096x128xf32>
    %slice3A_89 = vector.extract_strided_slice %get3A_25 {offsets = [0, 768], sizes = [1, 128], strides = [1, 1]} : vector<1x2048xf32> to vector<1x128xf32>
    %add3A_90 = vector.broadcast %slice3A_89 : vector<1x128xf32> to vector<4096x128xf32>
    %add3A_91 = arith.addf %sub3A_88, %add3A_90 : vector<4096x128xf32>
    %lt3A_92 = arith.cmpf olt, %add3A_91, %min3A_82 : vector<4096x128xf32>
    %min3A_93 = arith.minimumf %min3A_82, %add3A_91 : vector<4096x128xf32>
    %jit3A_94 = arith.constant 6.000000e+00 : f32
    %broadcast_in_dim3A_95 = vector.broadcast %jit3A_94 : f32 to vector<4096x128xf32>
    %select_n3A_96 = arith.select %lt3A_92, %broadcast_in_dim3A_95, %select_n3A_85 : vector<4096x128xi1>, vector<4096x128xf32>
    %slice3A_97 = vector.extract_strided_slice %dot_general3A_22 {offsets = [0, 896], sizes = [4096, 128], strides = [1, 1]} : vector<4096x2048xf32> to vector<4096x128xf32>
    %sub3A_98 = vector.broadcast %broadcast_in_dim3A : vector<4096x1xf32> to vector<4096x128xf32>
    %sub3A_99 = arith.subf %sub3A_98, %slice3A_97 : vector<4096x128xf32>
    %slice3A_100 = vector.extract_strided_slice %get3A_25 {offsets = [0, 896], sizes = [1, 128], strides = [1, 1]} : vector<1x2048xf32> to vector<1x128xf32>
    %add3A_101 = vector.broadcast %slice3A_100 : vector<1x128xf32> to vector<4096x128xf32>
    %add3A_102 = arith.addf %sub3A_99, %add3A_101 : vector<4096x128xf32>
    %lt3A_103 = arith.cmpf olt, %add3A_102, %min3A_93 : vector<4096x128xf32>
    %min3A_104 = arith.minimumf %min3A_93, %add3A_102 : vector<4096x128xf32>
    %jit3A_105 = arith.constant 7.000000e+00 : f32
    %broadcast_in_dim3A_106 = vector.broadcast %jit3A_105 : f32 to vector<4096x128xf32>
    %select_n3A_107 = arith.select %lt3A_103, %broadcast_in_dim3A_106, %select_n3A_96 : vector<4096x128xi1>, vector<4096x128xf32>
    %slice3A_108 = vector.extract_strided_slice %dot_general3A_22 {offsets = [0, 1024], sizes = [4096, 128], strides = [1, 1]} : vector<4096x2048xf32> to vector<4096x128xf32>
    %sub3A_109 = vector.broadcast %broadcast_in_dim3A : vector<4096x1xf32> to vector<4096x128xf32>
    %sub3A_110 = arith.subf %sub3A_109, %slice3A_108 : vector<4096x128xf32>
    %slice3A_111 = vector.extract_strided_slice %get3A_25 {offsets = [0, 1024], sizes = [1, 128], strides = [1, 1]} : vector<1x2048xf32> to vector<1x128xf32>
    %add3A_112 = vector.broadcast %slice3A_111 : vector<1x128xf32> to vector<4096x128xf32>
    %add3A_113 = arith.addf %sub3A_110, %add3A_112 : vector<4096x128xf32>
    %lt3A_114 = arith.cmpf olt, %add3A_113, %min3A_104 : vector<4096x128xf32>
    %min3A_115 = arith.minimumf %min3A_104, %add3A_113 : vector<4096x128xf32>
    %jit3A_116 = arith.constant 8.000000e+00 : f32
    %broadcast_in_dim3A_117 = vector.broadcast %jit3A_116 : f32 to vector<4096x128xf32>
    %select_n3A_118 = arith.select %lt3A_114, %broadcast_in_dim3A_117, %select_n3A_107 : vector<4096x128xi1>, vector<4096x128xf32>
    %slice3A_119 = vector.extract_strided_slice %dot_general3A_22 {offsets = [0, 1152], sizes = [4096, 128], strides = [1, 1]} : vector<4096x2048xf32> to vector<4096x128xf32>
    %sub3A_120 = vector.broadcast %broadcast_in_dim3A : vector<4096x1xf32> to vector<4096x128xf32>
    %sub3A_121 = arith.subf %sub3A_120, %slice3A_119 : vector<4096x128xf32>
    %slice3A_122 = vector.extract_strided_slice %get3A_25 {offsets = [0, 1152], sizes = [1, 128], strides = [1, 1]} : vector<1x2048xf32> to vector<1x128xf32>
    %add3A_123 = vector.broadcast %slice3A_122 : vector<1x128xf32> to vector<4096x128xf32>
    %add3A_124 = arith.addf %sub3A_121, %add3A_123 : vector<4096x128xf32>
    %lt3A_125 = arith.cmpf olt, %add3A_124, %min3A_115 : vector<4096x128xf32>
    %min3A_126 = arith.minimumf %min3A_115, %add3A_124 : vector<4096x128xf32>
    %jit3A_127 = arith.constant 9.000000e+00 : f32
    %broadcast_in_dim3A_128 = vector.broadcast %jit3A_127 : f32 to vector<4096x128xf32>
    %select_n3A_129 = arith.select %lt3A_125, %broadcast_in_dim3A_128, %select_n3A_118 : vector<4096x128xi1>, vector<4096x128xf32>
    %slice3A_130 = vector.extract_strided_slice %dot_general3A_22 {offsets = [0, 1280], sizes = [4096, 128], strides = [1, 1]} : vector<4096x2048xf32> to vector<4096x128xf32>
    %sub3A_131 = vector.broadcast %broadcast_in_dim3A : vector<4096x1xf32> to vector<4096x128xf32>
    %sub3A_132 = arith.subf %sub3A_131, %slice3A_130 : vector<4096x128xf32>
    %slice3A_133 = vector.extract_strided_slice %get3A_25 {offsets = [0, 1280], sizes = [1, 128], strides = [1, 1]} : vector<1x2048xf32> to vector<1x128xf32>
    %add3A_134 = vector.broadcast %slice3A_133 : vector<1x128xf32> to vector<4096x128xf32>
    %add3A_135 = arith.addf %sub3A_132, %add3A_134 : vector<4096x128xf32>
    %lt3A_136 = arith.cmpf olt, %add3A_135, %min3A_126 : vector<4096x128xf32>
    %min3A_137 = arith.minimumf %min3A_126, %add3A_135 : vector<4096x128xf32>
    %jit3A_138 = arith.constant 1.000000e+01 : f32
    %broadcast_in_dim3A_139 = vector.broadcast %jit3A_138 : f32 to vector<4096x128xf32>
    %select_n3A_140 = arith.select %lt3A_136, %broadcast_in_dim3A_139, %select_n3A_129 : vector<4096x128xi1>, vector<4096x128xf32>
    %slice3A_141 = vector.extract_strided_slice %dot_general3A_22 {offsets = [0, 1408], sizes = [4096, 128], strides = [1, 1]} : vector<4096x2048xf32> to vector<4096x128xf32>
    %sub3A_142 = vector.broadcast %broadcast_in_dim3A : vector<4096x1xf32> to vector<4096x128xf32>
    %sub3A_143 = arith.subf %sub3A_142, %slice3A_141 : vector<4096x128xf32>
    %slice3A_144 = vector.extract_strided_slice %get3A_25 {offsets = [0, 1408], sizes = [1, 128], strides = [1, 1]} : vector<1x2048xf32> to vector<1x128xf32>
    %add3A_145 = vector.broadcast %slice3A_144 : vector<1x128xf32> to vector<4096x128xf32>
    %add3A_146 = arith.addf %sub3A_143, %add3A_145 : vector<4096x128xf32>
    %lt3A_147 = arith.cmpf olt, %add3A_146, %min3A_137 : vector<4096x128xf32>
    %min3A_148 = arith.minimumf %min3A_137, %add3A_146 : vector<4096x128xf32>
    %jit3A_149 = arith.constant 1.100000e+01 : f32
    %broadcast_in_dim3A_150 = vector.broadcast %jit3A_149 : f32 to vector<4096x128xf32>
    %select_n3A_151 = arith.select %lt3A_147, %broadcast_in_dim3A_150, %select_n3A_140 : vector<4096x128xi1>, vector<4096x128xf32>
    %slice3A_152 = vector.extract_strided_slice %dot_general3A_22 {offsets = [0, 1536], sizes = [4096, 128], strides = [1, 1]} : vector<4096x2048xf32> to vector<4096x128xf32>
    %sub3A_153 = vector.broadcast %broadcast_in_dim3A : vector<4096x1xf32> to vector<4096x128xf32>
    %sub3A_154 = arith.subf %sub3A_153, %slice3A_152 : vector<4096x128xf32>
    %slice3A_155 = vector.extract_strided_slice %get3A_25 {offsets = [0, 1536], sizes = [1, 128], strides = [1, 1]} : vector<1x2048xf32> to vector<1x128xf32>
    %add3A_156 = vector.broadcast %slice3A_155 : vector<1x128xf32> to vector<4096x128xf32>
    %add3A_157 = arith.addf %sub3A_154, %add3A_156 : vector<4096x128xf32>
    %lt3A_158 = arith.cmpf olt, %add3A_157, %min3A_148 : vector<4096x128xf32>
    %min3A_159 = arith.minimumf %min3A_148, %add3A_157 : vector<4096x128xf32>
    %jit3A_160 = arith.constant 1.200000e+01 : f32
    %broadcast_in_dim3A_161 = vector.broadcast %jit3A_160 : f32 to vector<4096x128xf32>
    %select_n3A_162 = arith.select %lt3A_158, %broadcast_in_dim3A_161, %select_n3A_151 : vector<4096x128xi1>, vector<4096x128xf32>
    %slice3A_163 = vector.extract_strided_slice %dot_general3A_22 {offsets = [0, 1664], sizes = [4096, 128], strides = [1, 1]} : vector<4096x2048xf32> to vector<4096x128xf32>
    %sub3A_164 = vector.broadcast %broadcast_in_dim3A : vector<4096x1xf32> to vector<4096x128xf32>
    %sub3A_165 = arith.subf %sub3A_164, %slice3A_163 : vector<4096x128xf32>
    %slice3A_166 = vector.extract_strided_slice %get3A_25 {offsets = [0, 1664], sizes = [1, 128], strides = [1, 1]} : vector<1x2048xf32> to vector<1x128xf32>
    %add3A_167 = vector.broadcast %slice3A_166 : vector<1x128xf32> to vector<4096x128xf32>
    %add3A_168 = arith.addf %sub3A_165, %add3A_167 : vector<4096x128xf32>
    %lt3A_169 = arith.cmpf olt, %add3A_168, %min3A_159 : vector<4096x128xf32>
    %min3A_170 = arith.minimumf %min3A_159, %add3A_168 : vector<4096x128xf32>
    %jit3A_171 = arith.constant 1.300000e+01 : f32
    %broadcast_in_dim3A_172 = vector.broadcast %jit3A_171 : f32 to vector<4096x128xf32>
    %select_n3A_173 = arith.select %lt3A_169, %broadcast_in_dim3A_172, %select_n3A_162 : vector<4096x128xi1>, vector<4096x128xf32>
    %slice3A_174 = vector.extract_strided_slice %dot_general3A_22 {offsets = [0, 1792], sizes = [4096, 128], strides = [1, 1]} : vector<4096x2048xf32> to vector<4096x128xf32>
    %sub3A_175 = vector.broadcast %broadcast_in_dim3A : vector<4096x1xf32> to vector<4096x128xf32>
    %sub3A_176 = arith.subf %sub3A_175, %slice3A_174 : vector<4096x128xf32>
    %slice3A_177 = vector.extract_strided_slice %get3A_25 {offsets = [0, 1792], sizes = [1, 128], strides = [1, 1]} : vector<1x2048xf32> to vector<1x128xf32>
    %add3A_178 = vector.broadcast %slice3A_177 : vector<1x128xf32> to vector<4096x128xf32>
    %add3A_179 = arith.addf %sub3A_176, %add3A_178 : vector<4096x128xf32>
    %lt3A_180 = arith.cmpf olt, %add3A_179, %min3A_170 : vector<4096x128xf32>
    %min3A_181 = arith.minimumf %min3A_170, %add3A_179 : vector<4096x128xf32>
    %jit3A_182 = arith.constant 1.400000e+01 : f32
    %broadcast_in_dim3A_183 = vector.broadcast %jit3A_182 : f32 to vector<4096x128xf32>
    %select_n3A_184 = arith.select %lt3A_180, %broadcast_in_dim3A_183, %select_n3A_173 : vector<4096x128xi1>, vector<4096x128xf32>
    %slice3A_185 = vector.extract_strided_slice %dot_general3A_22 {offsets = [0, 1920], sizes = [4096, 128], strides = [1, 1]} : vector<4096x2048xf32> to vector<4096x128xf32>
    %sub3A_186 = vector.broadcast %broadcast_in_dim3A : vector<4096x1xf32> to vector<4096x128xf32>
    %sub3A_187 = arith.subf %sub3A_186, %slice3A_185 : vector<4096x128xf32>
    %slice3A_188 = vector.extract_strided_slice %get3A_25 {offsets = [0, 1920], sizes = [1, 128], strides = [1, 1]} : vector<1x2048xf32> to vector<1x128xf32>
    %add3A_189 = vector.broadcast %slice3A_188 : vector<1x128xf32> to vector<4096x128xf32>
    %add3A_190 = arith.addf %sub3A_187, %add3A_189 : vector<4096x128xf32>
    %lt3A_191 = arith.cmpf olt, %add3A_190, %min3A_181 : vector<4096x128xf32>
    %min3A_192 = arith.minimumf %min3A_181, %add3A_190 : vector<4096x128xf32>
    %jit3A_193 = arith.constant 1.500000e+01 : f32
    %broadcast_in_dim3A_194 = vector.broadcast %jit3A_193 : f32 to vector<4096x128xf32>
    %select_n3A_195 = arith.select %lt3A_191, %broadcast_in_dim3A_194, %select_n3A_184 : vector<4096x128xi1>, vector<4096x128xf32>
    %get3A_196 = arith.constant 2048 : index
    %get3A_197 = arith.constant 0 : index
    %get3A_198 = vector.load %arg7[%get3A_196, %get3A_197] : memref<8192x32xf32, #tpu.memory_space<vmem>>, vector<2048x32xf32>
    %dot_general3A_199 = arith.constant dense<0.000000e+00> : vector<4096x2048xf32>
    %dot_general3A_200 = tpu.matmul %add3A_11, %get3A_198, %dot_general3A_199 {dimension_numbers = #tpu.dot_dimension_numbers<[1], [1], [0], [0], [0, 0, 1, 0], [], []>, transpose_lhs_hint = false} : vector<4096x32xf32>, vector<2048x32xf32>, vector<4096x2048xf32> -> vector<4096x2048xf32>
    %get3A_201 = arith.constant 0 : index
    %get3A_202 = arith.constant 2048 : index
    %get3A_203 = vector.load %arg8[%get3A_201, %get3A_202] : memref<1x8192xf32, #tpu.memory_space<vmem>>, vector<1x2048xf32>
    %slice3A_204 = vector.extract_strided_slice %dot_general3A_200 {offsets = [0, 0], sizes = [4096, 128], strides = [1, 1]} : vector<4096x2048xf32> to vector<4096x128xf32>
    %sub3A_205 = vector.broadcast %broadcast_in_dim3A : vector<4096x1xf32> to vector<4096x128xf32>
    %sub3A_206 = arith.subf %sub3A_205, %slice3A_204 : vector<4096x128xf32>
    %slice3A_207 = vector.extract_strided_slice %get3A_203 {offsets = [0, 0], sizes = [1, 128], strides = [1, 1]} : vector<1x2048xf32> to vector<1x128xf32>
    %add3A_208 = vector.broadcast %slice3A_207 : vector<1x128xf32> to vector<4096x128xf32>
    %add3A_209 = arith.addf %sub3A_206, %add3A_208 : vector<4096x128xf32>
    %lt3A_210 = arith.cmpf olt, %add3A_209, %min3A_192 : vector<4096x128xf32>
    %min3A_211 = arith.minimumf %min3A_192, %add3A_209 : vector<4096x128xf32>
    %jit3A_212 = arith.constant 1.600000e+01 : f32
    %broadcast_in_dim3A_213 = vector.broadcast %jit3A_212 : f32 to vector<4096x128xf32>
    %select_n3A_214 = arith.select %lt3A_210, %broadcast_in_dim3A_213, %select_n3A_195 : vector<4096x128xi1>, vector<4096x128xf32>
    %slice3A_215 = vector.extract_strided_slice %dot_general3A_200 {offsets = [0, 128], sizes = [4096, 128], strides = [1, 1]} : vector<4096x2048xf32> to vector<4096x128xf32>
    %sub3A_216 = vector.broadcast %broadcast_in_dim3A : vector<4096x1xf32> to vector<4096x128xf32>
    %sub3A_217 = arith.subf %sub3A_216, %slice3A_215 : vector<4096x128xf32>
    %slice3A_218 = vector.extract_strided_slice %get3A_203 {offsets = [0, 128], sizes = [1, 128], strides = [1, 1]} : vector<1x2048xf32> to vector<1x128xf32>
    %add3A_219 = vector.broadcast %slice3A_218 : vector<1x128xf32> to vector<4096x128xf32>
    %add3A_220 = arith.addf %sub3A_217, %add3A_219 : vector<4096x128xf32>
    %lt3A_221 = arith.cmpf olt, %add3A_220, %min3A_211 : vector<4096x128xf32>
    %min3A_222 = arith.minimumf %min3A_211, %add3A_220 : vector<4096x128xf32>
    %jit3A_223 = arith.constant 1.700000e+01 : f32
    %broadcast_in_dim3A_224 = vector.broadcast %jit3A_223 : f32 to vector<4096x128xf32>
    %select_n3A_225 = arith.select %lt3A_221, %broadcast_in_dim3A_224, %select_n3A_214 : vector<4096x128xi1>, vector<4096x128xf32>
    %slice3A_226 = vector.extract_strided_slice %dot_general3A_200 {offsets = [0, 256], sizes = [4096, 128], strides = [1, 1]} : vector<4096x2048xf32> to vector<4096x128xf32>
    %sub3A_227 = vector.broadcast %broadcast_in_dim3A : vector<4096x1xf32> to vector<4096x128xf32>
    %sub3A_228 = arith.subf %sub3A_227, %slice3A_226 : vector<4096x128xf32>
    %slice3A_229 = vector.extract_strided_slice %get3A_203 {offsets = [0, 256], sizes = [1, 128], strides = [1, 1]} : vector<1x2048xf32> to vector<1x128xf32>
    %add3A_230 = vector.broadcast %slice3A_229 : vector<1x128xf32> to vector<4096x128xf32>
    %add3A_231 = arith.addf %sub3A_228, %add3A_230 : vector<4096x128xf32>
    %lt3A_232 = arith.cmpf olt, %add3A_231, %min3A_222 : vector<4096x128xf32>
    %min3A_233 = arith.minimumf %min3A_222, %add3A_231 : vector<4096x128xf32>
    %jit3A_234 = arith.constant 1.800000e+01 : f32
    %broadcast_in_dim3A_235 = vector.broadcast %jit3A_234 : f32 to vector<4096x128xf32>
    %select_n3A_236 = arith.select %lt3A_232, %broadcast_in_dim3A_235, %select_n3A_225 : vector<4096x128xi1>, vector<4096x128xf32>
    %slice3A_237 = vector.extract_strided_slice %dot_general3A_200 {offsets = [0, 384], sizes = [4096, 128], strides = [1, 1]} : vector<4096x2048xf32> to vector<4096x128xf32>
    %sub3A_238 = vector.broadcast %broadcast_in_dim3A : vector<4096x1xf32> to vector<4096x128xf32>
    %sub3A_239 = arith.subf %sub3A_238, %slice3A_237 : vector<4096x128xf32>
    %slice3A_240 = vector.extract_strided_slice %get3A_203 {offsets = [0, 384], sizes = [1, 128], strides = [1, 1]} : vector<1x2048xf32> to vector<1x128xf32>
    %add3A_241 = vector.broadcast %slice3A_240 : vector<1x128xf32> to vector<4096x128xf32>
    %add3A_242 = arith.addf %sub3A_239, %add3A_241 : vector<4096x128xf32>
    %lt3A_243 = arith.cmpf olt, %add3A_242, %min3A_233 : vector<4096x128xf32>
    %min3A_244 = arith.minimumf %min3A_233, %add3A_242 : vector<4096x128xf32>
    %jit3A_245 = arith.constant 1.900000e+01 : f32
    %broadcast_in_dim3A_246 = vector.broadcast %jit3A_245 : f32 to vector<4096x128xf32>
    %select_n3A_247 = arith.select %lt3A_243, %broadcast_in_dim3A_246, %select_n3A_236 : vector<4096x128xi1>, vector<4096x128xf32>
    %slice3A_248 = vector.extract_strided_slice %dot_general3A_200 {offsets = [0, 512], sizes = [4096, 128], strides = [1, 1]} : vector<4096x2048xf32> to vector<4096x128xf32>
    %sub3A_249 = vector.broadcast %broadcast_in_dim3A : vector<4096x1xf32> to vector<4096x128xf32>
    %sub3A_250 = arith.subf %sub3A_249, %slice3A_248 : vector<4096x128xf32>
    %slice3A_251 = vector.extract_strided_slice %get3A_203 {offsets = [0, 512], sizes = [1, 128], strides = [1, 1]} : vector<1x2048xf32> to vector<1x128xf32>
    %add3A_252 = vector.broadcast %slice3A_251 : vector<1x128xf32> to vector<4096x128xf32>
    %add3A_253 = arith.addf %sub3A_250, %add3A_252 : vector<4096x128xf32>
    %lt3A_254 = arith.cmpf olt, %add3A_253, %min3A_244 : vector<4096x128xf32>
    %min3A_255 = arith.minimumf %min3A_244, %add3A_253 : vector<4096x128xf32>
    %jit3A_256 = arith.constant 2.000000e+01 : f32
    %broadcast_in_dim3A_257 = vector.broadcast %jit3A_256 : f32 to vector<4096x128xf32>
    %select_n3A_258 = arith.select %lt3A_254, %broadcast_in_dim3A_257, %select_n3A_247 : vector<4096x128xi1>, vector<4096x128xf32>
    %slice3A_259 = vector.extract_strided_slice %dot_general3A_200 {offsets = [0, 640], sizes = [4096, 128], strides = [1, 1]} : vector<4096x2048xf32> to vector<4096x128xf32>
    %sub3A_260 = vector.broadcast %broadcast_in_dim3A : vector<4096x1xf32> to vector<4096x128xf32>
    %sub3A_261 = arith.subf %sub3A_260, %slice3A_259 : vector<4096x128xf32>
    %slice3A_262 = vector.extract_strided_slice %get3A_203 {offsets = [0, 640], sizes = [1, 128], strides = [1, 1]} : vector<1x2048xf32> to vector<1x128xf32>
    %add3A_263 = vector.broadcast %slice3A_262 : vector<1x128xf32> to vector<4096x128xf32>
    %add3A_264 = arith.addf %sub3A_261, %add3A_263 : vector<4096x128xf32>
    %lt3A_265 = arith.cmpf olt, %add3A_264, %min3A_255 : vector<4096x128xf32>
    %min3A_266 = arith.minimumf %min3A_255, %add3A_264 : vector<4096x128xf32>
    %jit3A_267 = arith.constant 2.100000e+01 : f32
    %broadcast_in_dim3A_268 = vector.broadcast %jit3A_267 : f32 to vector<4096x128xf32>
    %select_n3A_269 = arith.select %lt3A_265, %broadcast_in_dim3A_268, %select_n3A_258 : vector<4096x128xi1>, vector<4096x128xf32>
    %slice3A_270 = vector.extract_strided_slice %dot_general3A_200 {offsets = [0, 768], sizes = [4096, 128], strides = [1, 1]} : vector<4096x2048xf32> to vector<4096x128xf32>
    %sub3A_271 = vector.broadcast %broadcast_in_dim3A : vector<4096x1xf32> to vector<4096x128xf32>
    %sub3A_272 = arith.subf %sub3A_271, %slice3A_270 : vector<4096x128xf32>
    %slice3A_273 = vector.extract_strided_slice %get3A_203 {offsets = [0, 768], sizes = [1, 128], strides = [1, 1]} : vector<1x2048xf32> to vector<1x128xf32>
    %add3A_274 = vector.broadcast %slice3A_273 : vector<1x128xf32> to vector<4096x128xf32>
    %add3A_275 = arith.addf %sub3A_272, %add3A_274 : vector<4096x128xf32>
    %lt3A_276 = arith.cmpf olt, %add3A_275, %min3A_266 : vector<4096x128xf32>
    %min3A_277 = arith.minimumf %min3A_266, %add3A_275 : vector<4096x128xf32>
    %jit3A_278 = arith.constant 2.200000e+01 : f32
    %broadcast_in_dim3A_279 = vector.broadcast %jit3A_278 : f32 to vector<4096x128xf32>
    %select_n3A_280 = arith.select %lt3A_276, %broadcast_in_dim3A_279, %select_n3A_269 : vector<4096x128xi1>, vector<4096x128xf32>
    %slice3A_281 = vector.extract_strided_slice %dot_general3A_200 {offsets = [0, 896], sizes = [4096, 128], strides = [1, 1]} : vector<4096x2048xf32> to vector<4096x128xf32>
    %sub3A_282 = vector.broadcast %broadcast_in_dim3A : vector<4096x1xf32> to vector<4096x128xf32>
    %sub3A_283 = arith.subf %sub3A_282, %slice3A_281 : vector<4096x128xf32>
    %slice3A_284 = vector.extract_strided_slice %get3A_203 {offsets = [0, 896], sizes = [1, 128], strides = [1, 1]} : vector<1x2048xf32> to vector<1x128xf32>
    %add3A_285 = vector.broadcast %slice3A_284 : vector<1x128xf32> to vector<4096x128xf32>
    %add3A_286 = arith.addf %sub3A_283, %add3A_285 : vector<4096x128xf32>
    %lt3A_287 = arith.cmpf olt, %add3A_286, %min3A_277 : vector<4096x128xf32>
    %min3A_288 = arith.minimumf %min3A_277, %add3A_286 : vector<4096x128xf32>
    %jit3A_289 = arith.constant 2.300000e+01 : f32
    %broadcast_in_dim3A_290 = vector.broadcast %jit3A_289 : f32 to vector<4096x128xf32>
    %select_n3A_291 = arith.select %lt3A_287, %broadcast_in_dim3A_290, %select_n3A_280 : vector<4096x128xi1>, vector<4096x128xf32>
    %slice3A_292 = vector.extract_strided_slice %dot_general3A_200 {offsets = [0, 1024], sizes = [4096, 128], strides = [1, 1]} : vector<4096x2048xf32> to vector<4096x128xf32>
    %sub3A_293 = vector.broadcast %broadcast_in_dim3A : vector<4096x1xf32> to vector<4096x128xf32>
    %sub3A_294 = arith.subf %sub3A_293, %slice3A_292 : vector<4096x128xf32>
    %slice3A_295 = vector.extract_strided_slice %get3A_203 {offsets = [0, 1024], sizes = [1, 128], strides = [1, 1]} : vector<1x2048xf32> to vector<1x128xf32>
    %add3A_296 = vector.broadcast %slice3A_295 : vector<1x128xf32> to vector<4096x128xf32>
    %add3A_297 = arith.addf %sub3A_294, %add3A_296 : vector<4096x128xf32>
    %lt3A_298 = arith.cmpf olt, %add3A_297, %min3A_288 : vector<4096x128xf32>
    %min3A_299 = arith.minimumf %min3A_288, %add3A_297 : vector<4096x128xf32>
    %jit3A_300 = arith.constant 2.400000e+01 : f32
    %broadcast_in_dim3A_301 = vector.broadcast %jit3A_300 : f32 to vector<4096x128xf32>
    %select_n3A_302 = arith.select %lt3A_298, %broadcast_in_dim3A_301, %select_n3A_291 : vector<4096x128xi1>, vector<4096x128xf32>
    %slice3A_303 = vector.extract_strided_slice %dot_general3A_200 {offsets = [0, 1152], sizes = [4096, 128], strides = [1, 1]} : vector<4096x2048xf32> to vector<4096x128xf32>
    %sub3A_304 = vector.broadcast %broadcast_in_dim3A : vector<4096x1xf32> to vector<4096x128xf32>
    %sub3A_305 = arith.subf %sub3A_304, %slice3A_303 : vector<4096x128xf32>
    %slice3A_306 = vector.extract_strided_slice %get3A_203 {offsets = [0, 1152], sizes = [1, 128], strides = [1, 1]} : vector<1x2048xf32> to vector<1x128xf32>
    %add3A_307 = vector.broadcast %slice3A_306 : vector<1x128xf32> to vector<4096x128xf32>
    %add3A_308 = arith.addf %sub3A_305, %add3A_307 : vector<4096x128xf32>
    %lt3A_309 = arith.cmpf olt, %add3A_308, %min3A_299 : vector<4096x128xf32>
    %min3A_310 = arith.minimumf %min3A_299, %add3A_308 : vector<4096x128xf32>
    %jit3A_311 = arith.constant 2.500000e+01 : f32
    %broadcast_in_dim3A_312 = vector.broadcast %jit3A_311 : f32 to vector<4096x128xf32>
    %select_n3A_313 = arith.select %lt3A_309, %broadcast_in_dim3A_312, %select_n3A_302 : vector<4096x128xi1>, vector<4096x128xf32>
    %slice3A_314 = vector.extract_strided_slice %dot_general3A_200 {offsets = [0, 1280], sizes = [4096, 128], strides = [1, 1]} : vector<4096x2048xf32> to vector<4096x128xf32>
    %sub3A_315 = vector.broadcast %broadcast_in_dim3A : vector<4096x1xf32> to vector<4096x128xf32>
    %sub3A_316 = arith.subf %sub3A_315, %slice3A_314 : vector<4096x128xf32>
    %slice3A_317 = vector.extract_strided_slice %get3A_203 {offsets = [0, 1280], sizes = [1, 128], strides = [1, 1]} : vector<1x2048xf32> to vector<1x128xf32>
    %add3A_318 = vector.broadcast %slice3A_317 : vector<1x128xf32> to vector<4096x128xf32>
    %add3A_319 = arith.addf %sub3A_316, %add3A_318 : vector<4096x128xf32>
    %lt3A_320 = arith.cmpf olt, %add3A_319, %min3A_310 : vector<4096x128xf32>
    %min3A_321 = arith.minimumf %min3A_310, %add3A_319 : vector<4096x128xf32>
    %jit3A_322 = arith.constant 2.600000e+01 : f32
    %broadcast_in_dim3A_323 = vector.broadcast %jit3A_322 : f32 to vector<4096x128xf32>
    %select_n3A_324 = arith.select %lt3A_320, %broadcast_in_dim3A_323, %select_n3A_313 : vector<4096x128xi1>, vector<4096x128xf32>
    %slice3A_325 = vector.extract_strided_slice %dot_general3A_200 {offsets = [0, 1408], sizes = [4096, 128], strides = [1, 1]} : vector<4096x2048xf32> to vector<4096x128xf32>
    %sub3A_326 = vector.broadcast %broadcast_in_dim3A : vector<4096x1xf32> to vector<4096x128xf32>
    %sub3A_327 = arith.subf %sub3A_326, %slice3A_325 : vector<4096x128xf32>
    %slice3A_328 = vector.extract_strided_slice %get3A_203 {offsets = [0, 1408], sizes = [1, 128], strides = [1, 1]} : vector<1x2048xf32> to vector<1x128xf32>
    %add3A_329 = vector.broadcast %slice3A_328 : vector<1x128xf32> to vector<4096x128xf32>
    %add3A_330 = arith.addf %sub3A_327, %add3A_329 : vector<4096x128xf32>
    %lt3A_331 = arith.cmpf olt, %add3A_330, %min3A_321 : vector<4096x128xf32>
    %min3A_332 = arith.minimumf %min3A_321, %add3A_330 : vector<4096x128xf32>
    %jit3A_333 = arith.constant 2.700000e+01 : f32
    %broadcast_in_dim3A_334 = vector.broadcast %jit3A_333 : f32 to vector<4096x128xf32>
    %select_n3A_335 = arith.select %lt3A_331, %broadcast_in_dim3A_334, %select_n3A_324 : vector<4096x128xi1>, vector<4096x128xf32>
    %slice3A_336 = vector.extract_strided_slice %dot_general3A_200 {offsets = [0, 1536], sizes = [4096, 128], strides = [1, 1]} : vector<4096x2048xf32> to vector<4096x128xf32>
    %sub3A_337 = vector.broadcast %broadcast_in_dim3A : vector<4096x1xf32> to vector<4096x128xf32>
    %sub3A_338 = arith.subf %sub3A_337, %slice3A_336 : vector<4096x128xf32>
    %slice3A_339 = vector.extract_strided_slice %get3A_203 {offsets = [0, 1536], sizes = [1, 128], strides = [1, 1]} : vector<1x2048xf32> to vector<1x128xf32>
    %add3A_340 = vector.broadcast %slice3A_339 : vector<1x128xf32> to vector<4096x128xf32>
    %add3A_341 = arith.addf %sub3A_338, %add3A_340 : vector<4096x128xf32>
    %lt3A_342 = arith.cmpf olt, %add3A_341, %min3A_332 : vector<4096x128xf32>
    %min3A_343 = arith.minimumf %min3A_332, %add3A_341 : vector<4096x128xf32>
    %jit3A_344 = arith.constant 2.800000e+01 : f32
    %broadcast_in_dim3A_345 = vector.broadcast %jit3A_344 : f32 to vector<4096x128xf32>
    %select_n3A_346 = arith.select %lt3A_342, %broadcast_in_dim3A_345, %select_n3A_335 : vector<4096x128xi1>, vector<4096x128xf32>
    %slice3A_347 = vector.extract_strided_slice %dot_general3A_200 {offsets = [0, 1664], sizes = [4096, 128], strides = [1, 1]} : vector<4096x2048xf32> to vector<4096x128xf32>
    %sub3A_348 = vector.broadcast %broadcast_in_dim3A : vector<4096x1xf32> to vector<4096x128xf32>
    %sub3A_349 = arith.subf %sub3A_348, %slice3A_347 : vector<4096x128xf32>
    %slice3A_350 = vector.extract_strided_slice %get3A_203 {offsets = [0, 1664], sizes = [1, 128], strides = [1, 1]} : vector<1x2048xf32> to vector<1x128xf32>
    %add3A_351 = vector.broadcast %slice3A_350 : vector<1x128xf32> to vector<4096x128xf32>
    %add3A_352 = arith.addf %sub3A_349, %add3A_351 : vector<4096x128xf32>
    %lt3A_353 = arith.cmpf olt, %add3A_352, %min3A_343 : vector<4096x128xf32>
    %min3A_354 = arith.minimumf %min3A_343, %add3A_352 : vector<4096x128xf32>
    %jit3A_355 = arith.constant 2.900000e+01 : f32
    %broadcast_in_dim3A_356 = vector.broadcast %jit3A_355 : f32 to vector<4096x128xf32>
    %select_n3A_357 = arith.select %lt3A_353, %broadcast_in_dim3A_356, %select_n3A_346 : vector<4096x128xi1>, vector<4096x128xf32>
    %slice3A_358 = vector.extract_strided_slice %dot_general3A_200 {offsets = [0, 1792], sizes = [4096, 128], strides = [1, 1]} : vector<4096x2048xf32> to vector<4096x128xf32>
    %sub3A_359 = vector.broadcast %broadcast_in_dim3A : vector<4096x1xf32> to vector<4096x128xf32>
    %sub3A_360 = arith.subf %sub3A_359, %slice3A_358 : vector<4096x128xf32>
    %slice3A_361 = vector.extract_strided_slice %get3A_203 {offsets = [0, 1792], sizes = [1, 128], strides = [1, 1]} : vector<1x2048xf32> to vector<1x128xf32>
    %add3A_362 = vector.broadcast %slice3A_361 : vector<1x128xf32> to vector<4096x128xf32>
    %add3A_363 = arith.addf %sub3A_360, %add3A_362 : vector<4096x128xf32>
    %lt3A_364 = arith.cmpf olt, %add3A_363, %min3A_354 : vector<4096x128xf32>
    %min3A_365 = arith.minimumf %min3A_354, %add3A_363 : vector<4096x128xf32>
    %jit3A_366 = arith.constant 3.000000e+01 : f32
    %broadcast_in_dim3A_367 = vector.broadcast %jit3A_366 : f32 to vector<4096x128xf32>
    %select_n3A_368 = arith.select %lt3A_364, %broadcast_in_dim3A_367, %select_n3A_357 : vector<4096x128xi1>, vector<4096x128xf32>
    %slice3A_369 = vector.extract_strided_slice %dot_general3A_200 {offsets = [0, 1920], sizes = [4096, 128], strides = [1, 1]} : vector<4096x2048xf32> to vector<4096x128xf32>
    %sub3A_370 = vector.broadcast %broadcast_in_dim3A : vector<4096x1xf32> to vector<4096x128xf32>
    %sub3A_371 = arith.subf %sub3A_370, %slice3A_369 : vector<4096x128xf32>
    %slice3A_372 = vector.extract_strided_slice %get3A_203 {offsets = [0, 1920], sizes = [1, 128], strides = [1, 1]} : vector<1x2048xf32> to vector<1x128xf32>
    %add3A_373 = vector.broadcast %slice3A_372 : vector<1x128xf32> to vector<4096x128xf32>
    %add3A_374 = arith.addf %sub3A_371, %add3A_373 : vector<4096x128xf32>
    %lt3A_375 = arith.cmpf olt, %add3A_374, %min3A_365 : vector<4096x128xf32>
    %min3A_376 = arith.minimumf %min3A_365, %add3A_374 : vector<4096x128xf32>
    %jit3A_377 = arith.constant 3.100000e+01 : f32
    %broadcast_in_dim3A_378 = vector.broadcast %jit3A_377 : f32 to vector<4096x128xf32>
    %select_n3A_379 = arith.select %lt3A_375, %broadcast_in_dim3A_378, %select_n3A_368 : vector<4096x128xi1>, vector<4096x128xf32>
    %get3A_380 = arith.constant 4096 : index
    %get3A_381 = arith.constant 0 : index
    %get3A_382 = vector.load %arg7[%get3A_380, %get3A_381] : memref<8192x32xf32, #tpu.memory_space<vmem>>, vector<2048x32xf32>
    %dot_general3A_383 = arith.constant dense<0.000000e+00> : vector<4096x2048xf32>
    %dot_general3A_384 = tpu.matmul %add3A_11, %get3A_382, %dot_general3A_383 {dimension_numbers = #tpu.dot_dimension_numbers<[1], [1], [0], [0], [0, 0, 1, 0], [], []>, transpose_lhs_hint = false} : vector<4096x32xf32>, vector<2048x32xf32>, vector<4096x2048xf32> -> vector<4096x2048xf32>
    %get3A_385 = arith.constant 0 : index
    %get3A_386 = arith.constant 4096 : index
    %get3A_387 = vector.load %arg8[%get3A_385, %get3A_386] : memref<1x8192xf32, #tpu.memory_space<vmem>>, vector<1x2048xf32>
    %slice3A_388 = vector.extract_strided_slice %dot_general3A_384 {offsets = [0, 0], sizes = [4096, 128], strides = [1, 1]} : vector<4096x2048xf32> to vector<4096x128xf32>
    %sub3A_389 = vector.broadcast %broadcast_in_dim3A : vector<4096x1xf32> to vector<4096x128xf32>
    %sub3A_390 = arith.subf %sub3A_389, %slice3A_388 : vector<4096x128xf32>
    %slice3A_391 = vector.extract_strided_slice %get3A_387 {offsets = [0, 0], sizes = [1, 128], strides = [1, 1]} : vector<1x2048xf32> to vector<1x128xf32>
    %add3A_392 = vector.broadcast %slice3A_391 : vector<1x128xf32> to vector<4096x128xf32>
    %add3A_393 = arith.addf %sub3A_390, %add3A_392 : vector<4096x128xf32>
    %lt3A_394 = arith.cmpf olt, %add3A_393, %min3A_376 : vector<4096x128xf32>
    %min3A_395 = arith.minimumf %min3A_376, %add3A_393 : vector<4096x128xf32>
    %jit3A_396 = arith.constant 3.200000e+01 : f32
    %broadcast_in_dim3A_397 = vector.broadcast %jit3A_396 : f32 to vector<4096x128xf32>
    %select_n3A_398 = arith.select %lt3A_394, %broadcast_in_dim3A_397, %select_n3A_379 : vector<4096x128xi1>, vector<4096x128xf32>
    %slice3A_399 = vector.extract_strided_slice %dot_general3A_384 {offsets = [0, 128], sizes = [4096, 128], strides = [1, 1]} : vector<4096x2048xf32> to vector<4096x128xf32>
    %sub3A_400 = vector.broadcast %broadcast_in_dim3A : vector<4096x1xf32> to vector<4096x128xf32>
    %sub3A_401 = arith.subf %sub3A_400, %slice3A_399 : vector<4096x128xf32>
    %slice3A_402 = vector.extract_strided_slice %get3A_387 {offsets = [0, 128], sizes = [1, 128], strides = [1, 1]} : vector<1x2048xf32> to vector<1x128xf32>
    %add3A_403 = vector.broadcast %slice3A_402 : vector<1x128xf32> to vector<4096x128xf32>
    %add3A_404 = arith.addf %sub3A_401, %add3A_403 : vector<4096x128xf32>
    %lt3A_405 = arith.cmpf olt, %add3A_404, %min3A_395 : vector<4096x128xf32>
    %min3A_406 = arith.minimumf %min3A_395, %add3A_404 : vector<4096x128xf32>
    %jit3A_407 = arith.constant 3.300000e+01 : f32
    %broadcast_in_dim3A_408 = vector.broadcast %jit3A_407 : f32 to vector<4096x128xf32>
    %select_n3A_409 = arith.select %lt3A_405, %broadcast_in_dim3A_408, %select_n3A_398 : vector<4096x128xi1>, vector<4096x128xf32>
    %slice3A_410 = vector.extract_strided_slice %dot_general3A_384 {offsets = [0, 256], sizes = [4096, 128], strides = [1, 1]} : vector<4096x2048xf32> to vector<4096x128xf32>
    %sub3A_411 = vector.broadcast %broadcast_in_dim3A : vector<4096x1xf32> to vector<4096x128xf32>
    %sub3A_412 = arith.subf %sub3A_411, %slice3A_410 : vector<4096x128xf32>
    %slice3A_413 = vector.extract_strided_slice %get3A_387 {offsets = [0, 256], sizes = [1, 128], strides = [1, 1]} : vector<1x2048xf32> to vector<1x128xf32>
    %add3A_414 = vector.broadcast %slice3A_413 : vector<1x128xf32> to vector<4096x128xf32>
    %add3A_415 = arith.addf %sub3A_412, %add3A_414 : vector<4096x128xf32>
    %lt3A_416 = arith.cmpf olt, %add3A_415, %min3A_406 : vector<4096x128xf32>
    %min3A_417 = arith.minimumf %min3A_406, %add3A_415 : vector<4096x128xf32>
    %jit3A_418 = arith.constant 3.400000e+01 : f32
    %broadcast_in_dim3A_419 = vector.broadcast %jit3A_418 : f32 to vector<4096x128xf32>
    %select_n3A_420 = arith.select %lt3A_416, %broadcast_in_dim3A_419, %select_n3A_409 : vector<4096x128xi1>, vector<4096x128xf32>
    %slice3A_421 = vector.extract_strided_slice %dot_general3A_384 {offsets = [0, 384], sizes = [4096, 128], strides = [1, 1]} : vector<4096x2048xf32> to vector<4096x128xf32>
    %sub3A_422 = vector.broadcast %broadcast_in_dim3A : vector<4096x1xf32> to vector<4096x128xf32>
    %sub3A_423 = arith.subf %sub3A_422, %slice3A_421 : vector<4096x128xf32>
    %slice3A_424 = vector.extract_strided_slice %get3A_387 {offsets = [0, 384], sizes = [1, 128], strides = [1, 1]} : vector<1x2048xf32> to vector<1x128xf32>
    %add3A_425 = vector.broadcast %slice3A_424 : vector<1x128xf32> to vector<4096x128xf32>
    %add3A_426 = arith.addf %sub3A_423, %add3A_425 : vector<4096x128xf32>
    %lt3A_427 = arith.cmpf olt, %add3A_426, %min3A_417 : vector<4096x128xf32>
    %min3A_428 = arith.minimumf %min3A_417, %add3A_426 : vector<4096x128xf32>
    %jit3A_429 = arith.constant 3.500000e+01 : f32
    %broadcast_in_dim3A_430 = vector.broadcast %jit3A_429 : f32 to vector<4096x128xf32>
    %select_n3A_431 = arith.select %lt3A_427, %broadcast_in_dim3A_430, %select_n3A_420 : vector<4096x128xi1>, vector<4096x128xf32>
    %slice3A_432 = vector.extract_strided_slice %dot_general3A_384 {offsets = [0, 512], sizes = [4096, 128], strides = [1, 1]} : vector<4096x2048xf32> to vector<4096x128xf32>
    %sub3A_433 = vector.broadcast %broadcast_in_dim3A : vector<4096x1xf32> to vector<4096x128xf32>
    %sub3A_434 = arith.subf %sub3A_433, %slice3A_432 : vector<4096x128xf32>
    %slice3A_435 = vector.extract_strided_slice %get3A_387 {offsets = [0, 512], sizes = [1, 128], strides = [1, 1]} : vector<1x2048xf32> to vector<1x128xf32>
    %add3A_436 = vector.broadcast %slice3A_435 : vector<1x128xf32> to vector<4096x128xf32>
    %add3A_437 = arith.addf %sub3A_434, %add3A_436 : vector<4096x128xf32>
    %lt3A_438 = arith.cmpf olt, %add3A_437, %min3A_428 : vector<4096x128xf32>
    %min3A_439 = arith.minimumf %min3A_428, %add3A_437 : vector<4096x128xf32>
    %jit3A_440 = arith.constant 3.600000e+01 : f32
    %broadcast_in_dim3A_441 = vector.broadcast %jit3A_440 : f32 to vector<4096x128xf32>
    %select_n3A_442 = arith.select %lt3A_438, %broadcast_in_dim3A_441, %select_n3A_431 : vector<4096x128xi1>, vector<4096x128xf32>
    %slice3A_443 = vector.extract_strided_slice %dot_general3A_384 {offsets = [0, 640], sizes = [4096, 128], strides = [1, 1]} : vector<4096x2048xf32> to vector<4096x128xf32>
    %sub3A_444 = vector.broadcast %broadcast_in_dim3A : vector<4096x1xf32> to vector<4096x128xf32>
    %sub3A_445 = arith.subf %sub3A_444, %slice3A_443 : vector<4096x128xf32>
    %slice3A_446 = vector.extract_strided_slice %get3A_387 {offsets = [0, 640], sizes = [1, 128], strides = [1, 1]} : vector<1x2048xf32> to vector<1x128xf32>
    %add3A_447 = vector.broadcast %slice3A_446 : vector<1x128xf32> to vector<4096x128xf32>
    %add3A_448 = arith.addf %sub3A_445, %add3A_447 : vector<4096x128xf32>
    %lt3A_449 = arith.cmpf olt, %add3A_448, %min3A_439 : vector<4096x128xf32>
    %min3A_450 = arith.minimumf %min3A_439, %add3A_448 : vector<4096x128xf32>
    %jit3A_451 = arith.constant 3.700000e+01 : f32
    %broadcast_in_dim3A_452 = vector.broadcast %jit3A_451 : f32 to vector<4096x128xf32>
    %select_n3A_453 = arith.select %lt3A_449, %broadcast_in_dim3A_452, %select_n3A_442 : vector<4096x128xi1>, vector<4096x128xf32>
    %slice3A_454 = vector.extract_strided_slice %dot_general3A_384 {offsets = [0, 768], sizes = [4096, 128], strides = [1, 1]} : vector<4096x2048xf32> to vector<4096x128xf32>
    %sub3A_455 = vector.broadcast %broadcast_in_dim3A : vector<4096x1xf32> to vector<4096x128xf32>
    %sub3A_456 = arith.subf %sub3A_455, %slice3A_454 : vector<4096x128xf32>
    %slice3A_457 = vector.extract_strided_slice %get3A_387 {offsets = [0, 768], sizes = [1, 128], strides = [1, 1]} : vector<1x2048xf32> to vector<1x128xf32>
    %add3A_458 = vector.broadcast %slice3A_457 : vector<1x128xf32> to vector<4096x128xf32>
    %add3A_459 = arith.addf %sub3A_456, %add3A_458 : vector<4096x128xf32>
    %lt3A_460 = arith.cmpf olt, %add3A_459, %min3A_450 : vector<4096x128xf32>
    %min3A_461 = arith.minimumf %min3A_450, %add3A_459 : vector<4096x128xf32>
    %jit3A_462 = arith.constant 3.800000e+01 : f32
    %broadcast_in_dim3A_463 = vector.broadcast %jit3A_462 : f32 to vector<4096x128xf32>
    %select_n3A_464 = arith.select %lt3A_460, %broadcast_in_dim3A_463, %select_n3A_453 : vector<4096x128xi1>, vector<4096x128xf32>
    %slice3A_465 = vector.extract_strided_slice %dot_general3A_384 {offsets = [0, 896], sizes = [4096, 128], strides = [1, 1]} : vector<4096x2048xf32> to vector<4096x128xf32>
    %sub3A_466 = vector.broadcast %broadcast_in_dim3A : vector<4096x1xf32> to vector<4096x128xf32>
    %sub3A_467 = arith.subf %sub3A_466, %slice3A_465 : vector<4096x128xf32>
    %slice3A_468 = vector.extract_strided_slice %get3A_387 {offsets = [0, 896], sizes = [1, 128], strides = [1, 1]} : vector<1x2048xf32> to vector<1x128xf32>
    %add3A_469 = vector.broadcast %slice3A_468 : vector<1x128xf32> to vector<4096x128xf32>
    %add3A_470 = arith.addf %sub3A_467, %add3A_469 : vector<4096x128xf32>
    %lt3A_471 = arith.cmpf olt, %add3A_470, %min3A_461 : vector<4096x128xf32>
    %min3A_472 = arith.minimumf %min3A_461, %add3A_470 : vector<4096x128xf32>
    %jit3A_473 = arith.constant 3.900000e+01 : f32
    %broadcast_in_dim3A_474 = vector.broadcast %jit3A_473 : f32 to vector<4096x128xf32>
    %select_n3A_475 = arith.select %lt3A_471, %broadcast_in_dim3A_474, %select_n3A_464 : vector<4096x128xi1>, vector<4096x128xf32>
    %slice3A_476 = vector.extract_strided_slice %dot_general3A_384 {offsets = [0, 1024], sizes = [4096, 128], strides = [1, 1]} : vector<4096x2048xf32> to vector<4096x128xf32>
    %sub3A_477 = vector.broadcast %broadcast_in_dim3A : vector<4096x1xf32> to vector<4096x128xf32>
    %sub3A_478 = arith.subf %sub3A_477, %slice3A_476 : vector<4096x128xf32>
    %slice3A_479 = vector.extract_strided_slice %get3A_387 {offsets = [0, 1024], sizes = [1, 128], strides = [1, 1]} : vector<1x2048xf32> to vector<1x128xf32>
    %add3A_480 = vector.broadcast %slice3A_479 : vector<1x128xf32> to vector<4096x128xf32>
    %add3A_481 = arith.addf %sub3A_478, %add3A_480 : vector<4096x128xf32>
    %lt3A_482 = arith.cmpf olt, %add3A_481, %min3A_472 : vector<4096x128xf32>
    %min3A_483 = arith.minimumf %min3A_472, %add3A_481 : vector<4096x128xf32>
    %jit3A_484 = arith.constant 4.000000e+01 : f32
    %broadcast_in_dim3A_485 = vector.broadcast %jit3A_484 : f32 to vector<4096x128xf32>
    %select_n3A_486 = arith.select %lt3A_482, %broadcast_in_dim3A_485, %select_n3A_475 : vector<4096x128xi1>, vector<4096x128xf32>
    %slice3A_487 = vector.extract_strided_slice %dot_general3A_384 {offsets = [0, 1152], sizes = [4096, 128], strides = [1, 1]} : vector<4096x2048xf32> to vector<4096x128xf32>
    %sub3A_488 = vector.broadcast %broadcast_in_dim3A : vector<4096x1xf32> to vector<4096x128xf32>
    %sub3A_489 = arith.subf %sub3A_488, %slice3A_487 : vector<4096x128xf32>
    %slice3A_490 = vector.extract_strided_slice %get3A_387 {offsets = [0, 1152], sizes = [1, 128], strides = [1, 1]} : vector<1x2048xf32> to vector<1x128xf32>
    %add3A_491 = vector.broadcast %slice3A_490 : vector<1x128xf32> to vector<4096x128xf32>
    %add3A_492 = arith.addf %sub3A_489, %add3A_491 : vector<4096x128xf32>
    %lt3A_493 = arith.cmpf olt, %add3A_492, %min3A_483 : vector<4096x128xf32>
    %min3A_494 = arith.minimumf %min3A_483, %add3A_492 : vector<4096x128xf32>
    %jit3A_495 = arith.constant 4.100000e+01 : f32
    %broadcast_in_dim3A_496 = vector.broadcast %jit3A_495 : f32 to vector<4096x128xf32>
    %select_n3A_497 = arith.select %lt3A_493, %broadcast_in_dim3A_496, %select_n3A_486 : vector<4096x128xi1>, vector<4096x128xf32>
    %slice3A_498 = vector.extract_strided_slice %dot_general3A_384 {offsets = [0, 1280], sizes = [4096, 128], strides = [1, 1]} : vector<4096x2048xf32> to vector<4096x128xf32>
    %sub3A_499 = vector.broadcast %broadcast_in_dim3A : vector<4096x1xf32> to vector<4096x128xf32>
    %sub3A_500 = arith.subf %sub3A_499, %slice3A_498 : vector<4096x128xf32>
    %slice3A_501 = vector.extract_strided_slice %get3A_387 {offsets = [0, 1280], sizes = [1, 128], strides = [1, 1]} : vector<1x2048xf32> to vector<1x128xf32>
    %add3A_502 = vector.broadcast %slice3A_501 : vector<1x128xf32> to vector<4096x128xf32>
    %add3A_503 = arith.addf %sub3A_500, %add3A_502 : vector<4096x128xf32>
    %lt3A_504 = arith.cmpf olt, %add3A_503, %min3A_494 : vector<4096x128xf32>
    %min3A_505 = arith.minimumf %min3A_494, %add3A_503 : vector<4096x128xf32>
    %jit3A_506 = arith.constant 4.200000e+01 : f32
    %broadcast_in_dim3A_507 = vector.broadcast %jit3A_506 : f32 to vector<4096x128xf32>
    %select_n3A_508 = arith.select %lt3A_504, %broadcast_in_dim3A_507, %select_n3A_497 : vector<4096x128xi1>, vector<4096x128xf32>
    %slice3A_509 = vector.extract_strided_slice %dot_general3A_384 {offsets = [0, 1408], sizes = [4096, 128], strides = [1, 1]} : vector<4096x2048xf32> to vector<4096x128xf32>
    %sub3A_510 = vector.broadcast %broadcast_in_dim3A : vector<4096x1xf32> to vector<4096x128xf32>
    %sub3A_511 = arith.subf %sub3A_510, %slice3A_509 : vector<4096x128xf32>
    %slice3A_512 = vector.extract_strided_slice %get3A_387 {offsets = [0, 1408], sizes = [1, 128], strides = [1, 1]} : vector<1x2048xf32> to vector<1x128xf32>
    %add3A_513 = vector.broadcast %slice3A_512 : vector<1x128xf32> to vector<4096x128xf32>
    %add3A_514 = arith.addf %sub3A_511, %add3A_513 : vector<4096x128xf32>
    %lt3A_515 = arith.cmpf olt, %add3A_514, %min3A_505 : vector<4096x128xf32>
    %min3A_516 = arith.minimumf %min3A_505, %add3A_514 : vector<4096x128xf32>
    %jit3A_517 = arith.constant 4.300000e+01 : f32
    %broadcast_in_dim3A_518 = vector.broadcast %jit3A_517 : f32 to vector<4096x128xf32>
    %select_n3A_519 = arith.select %lt3A_515, %broadcast_in_dim3A_518, %select_n3A_508 : vector<4096x128xi1>, vector<4096x128xf32>
    %slice3A_520 = vector.extract_strided_slice %dot_general3A_384 {offsets = [0, 1536], sizes = [4096, 128], strides = [1, 1]} : vector<4096x2048xf32> to vector<4096x128xf32>
    %sub3A_521 = vector.broadcast %broadcast_in_dim3A : vector<4096x1xf32> to vector<4096x128xf32>
    %sub3A_522 = arith.subf %sub3A_521, %slice3A_520 : vector<4096x128xf32>
    %slice3A_523 = vector.extract_strided_slice %get3A_387 {offsets = [0, 1536], sizes = [1, 128], strides = [1, 1]} : vector<1x2048xf32> to vector<1x128xf32>
    %add3A_524 = vector.broadcast %slice3A_523 : vector<1x128xf32> to vector<4096x128xf32>
    %add3A_525 = arith.addf %sub3A_522, %add3A_524 : vector<4096x128xf32>
    %lt3A_526 = arith.cmpf olt, %add3A_525, %min3A_516 : vector<4096x128xf32>
    %min3A_527 = arith.minimumf %min3A_516, %add3A_525 : vector<4096x128xf32>
    %jit3A_528 = arith.constant 4.400000e+01 : f32
    %broadcast_in_dim3A_529 = vector.broadcast %jit3A_528 : f32 to vector<4096x128xf32>
    %select_n3A_530 = arith.select %lt3A_526, %broadcast_in_dim3A_529, %select_n3A_519 : vector<4096x128xi1>, vector<4096x128xf32>
    %slice3A_531 = vector.extract_strided_slice %dot_general3A_384 {offsets = [0, 1664], sizes = [4096, 128], strides = [1, 1]} : vector<4096x2048xf32> to vector<4096x128xf32>
    %sub3A_532 = vector.broadcast %broadcast_in_dim3A : vector<4096x1xf32> to vector<4096x128xf32>
    %sub3A_533 = arith.subf %sub3A_532, %slice3A_531 : vector<4096x128xf32>
    %slice3A_534 = vector.extract_strided_slice %get3A_387 {offsets = [0, 1664], sizes = [1, 128], strides = [1, 1]} : vector<1x2048xf32> to vector<1x128xf32>
    %add3A_535 = vector.broadcast %slice3A_534 : vector<1x128xf32> to vector<4096x128xf32>
    %add3A_536 = arith.addf %sub3A_533, %add3A_535 : vector<4096x128xf32>
    %lt3A_537 = arith.cmpf olt, %add3A_536, %min3A_527 : vector<4096x128xf32>
    %min3A_538 = arith.minimumf %min3A_527, %add3A_536 : vector<4096x128xf32>
    %jit3A_539 = arith.constant 4.500000e+01 : f32
    %broadcast_in_dim3A_540 = vector.broadcast %jit3A_539 : f32 to vector<4096x128xf32>
    %select_n3A_541 = arith.select %lt3A_537, %broadcast_in_dim3A_540, %select_n3A_530 : vector<4096x128xi1>, vector<4096x128xf32>
    %slice3A_542 = vector.extract_strided_slice %dot_general3A_384 {offsets = [0, 1792], sizes = [4096, 128], strides = [1, 1]} : vector<4096x2048xf32> to vector<4096x128xf32>
    %sub3A_543 = vector.broadcast %broadcast_in_dim3A : vector<4096x1xf32> to vector<4096x128xf32>
    %sub3A_544 = arith.subf %sub3A_543, %slice3A_542 : vector<4096x128xf32>
    %slice3A_545 = vector.extract_strided_slice %get3A_387 {offsets = [0, 1792], sizes = [1, 128], strides = [1, 1]} : vector<1x2048xf32> to vector<1x128xf32>
    %add3A_546 = vector.broadcast %slice3A_545 : vector<1x128xf32> to vector<4096x128xf32>
    %add3A_547 = arith.addf %sub3A_544, %add3A_546 : vector<4096x128xf32>
    %lt3A_548 = arith.cmpf olt, %add3A_547, %min3A_538 : vector<4096x128xf32>
    %min3A_549 = arith.minimumf %min3A_538, %add3A_547 : vector<4096x128xf32>
    %jit3A_550 = arith.constant 4.600000e+01 : f32
    %broadcast_in_dim3A_551 = vector.broadcast %jit3A_550 : f32 to vector<4096x128xf32>
    %select_n3A_552 = arith.select %lt3A_548, %broadcast_in_dim3A_551, %select_n3A_541 : vector<4096x128xi1>, vector<4096x128xf32>
    %slice3A_553 = vector.extract_strided_slice %dot_general3A_384 {offsets = [0, 1920], sizes = [4096, 128], strides = [1, 1]} : vector<4096x2048xf32> to vector<4096x128xf32>
    %sub3A_554 = vector.broadcast %broadcast_in_dim3A : vector<4096x1xf32> to vector<4096x128xf32>
    %sub3A_555 = arith.subf %sub3A_554, %slice3A_553 : vector<4096x128xf32>
    %slice3A_556 = vector.extract_strided_slice %get3A_387 {offsets = [0, 1920], sizes = [1, 128], strides = [1, 1]} : vector<1x2048xf32> to vector<1x128xf32>
    %add3A_557 = vector.broadcast %slice3A_556 : vector<1x128xf32> to vector<4096x128xf32>
    %add3A_558 = arith.addf %sub3A_555, %add3A_557 : vector<4096x128xf32>
    %lt3A_559 = arith.cmpf olt, %add3A_558, %min3A_549 : vector<4096x128xf32>
    %min3A_560 = arith.minimumf %min3A_549, %add3A_558 : vector<4096x128xf32>
    %jit3A_561 = arith.constant 4.700000e+01 : f32
    %broadcast_in_dim3A_562 = vector.broadcast %jit3A_561 : f32 to vector<4096x128xf32>
    %select_n3A_563 = arith.select %lt3A_559, %broadcast_in_dim3A_562, %select_n3A_552 : vector<4096x128xi1>, vector<4096x128xf32>
    %get3A_564 = arith.constant 6144 : index
    %get3A_565 = arith.constant 0 : index
    %get3A_566 = vector.load %arg7[%get3A_564, %get3A_565] : memref<8192x32xf32, #tpu.memory_space<vmem>>, vector<2048x32xf32>
    %dot_general3A_567 = arith.constant dense<0.000000e+00> : vector<4096x2048xf32>
    %dot_general3A_568 = tpu.matmul %add3A_11, %get3A_566, %dot_general3A_567 {dimension_numbers = #tpu.dot_dimension_numbers<[1], [1], [0], [0], [0, 0, 1, 0], [], []>, transpose_lhs_hint = false} : vector<4096x32xf32>, vector<2048x32xf32>, vector<4096x2048xf32> -> vector<4096x2048xf32>
    %get3A_569 = arith.constant 0 : index
    %get3A_570 = arith.constant 6144 : index
    %get3A_571 = vector.load %arg8[%get3A_569, %get3A_570] : memref<1x8192xf32, #tpu.memory_space<vmem>>, vector<1x2048xf32>
    %slice3A_572 = vector.extract_strided_slice %dot_general3A_568 {offsets = [0, 0], sizes = [4096, 128], strides = [1, 1]} : vector<4096x2048xf32> to vector<4096x128xf32>
    %sub3A_573 = vector.broadcast %broadcast_in_dim3A : vector<4096x1xf32> to vector<4096x128xf32>
    %sub3A_574 = arith.subf %sub3A_573, %slice3A_572 : vector<4096x128xf32>
    %slice3A_575 = vector.extract_strided_slice %get3A_571 {offsets = [0, 0], sizes = [1, 128], strides = [1, 1]} : vector<1x2048xf32> to vector<1x128xf32>
    %add3A_576 = vector.broadcast %slice3A_575 : vector<1x128xf32> to vector<4096x128xf32>
    %add3A_577 = arith.addf %sub3A_574, %add3A_576 : vector<4096x128xf32>
    %lt3A_578 = arith.cmpf olt, %add3A_577, %min3A_560 : vector<4096x128xf32>
    %min3A_579 = arith.minimumf %min3A_560, %add3A_577 : vector<4096x128xf32>
    %jit3A_580 = arith.constant 4.800000e+01 : f32
    %broadcast_in_dim3A_581 = vector.broadcast %jit3A_580 : f32 to vector<4096x128xf32>
    %select_n3A_582 = arith.select %lt3A_578, %broadcast_in_dim3A_581, %select_n3A_563 : vector<4096x128xi1>, vector<4096x128xf32>
    %slice3A_583 = vector.extract_strided_slice %dot_general3A_568 {offsets = [0, 128], sizes = [4096, 128], strides = [1, 1]} : vector<4096x2048xf32> to vector<4096x128xf32>
    %sub3A_584 = vector.broadcast %broadcast_in_dim3A : vector<4096x1xf32> to vector<4096x128xf32>
    %sub3A_585 = arith.subf %sub3A_584, %slice3A_583 : vector<4096x128xf32>
    %slice3A_586 = vector.extract_strided_slice %get3A_571 {offsets = [0, 128], sizes = [1, 128], strides = [1, 1]} : vector<1x2048xf32> to vector<1x128xf32>
    %add3A_587 = vector.broadcast %slice3A_586 : vector<1x128xf32> to vector<4096x128xf32>
    %add3A_588 = arith.addf %sub3A_585, %add3A_587 : vector<4096x128xf32>
    %lt3A_589 = arith.cmpf olt, %add3A_588, %min3A_579 : vector<4096x128xf32>
    %min3A_590 = arith.minimumf %min3A_579, %add3A_588 : vector<4096x128xf32>
    %jit3A_591 = arith.constant 4.900000e+01 : f32
    %broadcast_in_dim3A_592 = vector.broadcast %jit3A_591 : f32 to vector<4096x128xf32>
    %select_n3A_593 = arith.select %lt3A_589, %broadcast_in_dim3A_592, %select_n3A_582 : vector<4096x128xi1>, vector<4096x128xf32>
    %slice3A_594 = vector.extract_strided_slice %dot_general3A_568 {offsets = [0, 256], sizes = [4096, 128], strides = [1, 1]} : vector<4096x2048xf32> to vector<4096x128xf32>
    %sub3A_595 = vector.broadcast %broadcast_in_dim3A : vector<4096x1xf32> to vector<4096x128xf32>
    %sub3A_596 = arith.subf %sub3A_595, %slice3A_594 : vector<4096x128xf32>
    %slice3A_597 = vector.extract_strided_slice %get3A_571 {offsets = [0, 256], sizes = [1, 128], strides = [1, 1]} : vector<1x2048xf32> to vector<1x128xf32>
    %add3A_598 = vector.broadcast %slice3A_597 : vector<1x128xf32> to vector<4096x128xf32>
    %add3A_599 = arith.addf %sub3A_596, %add3A_598 : vector<4096x128xf32>
    %lt3A_600 = arith.cmpf olt, %add3A_599, %min3A_590 : vector<4096x128xf32>
    %min3A_601 = arith.minimumf %min3A_590, %add3A_599 : vector<4096x128xf32>
    %jit3A_602 = arith.constant 5.000000e+01 : f32
    %broadcast_in_dim3A_603 = vector.broadcast %jit3A_602 : f32 to vector<4096x128xf32>
    %select_n3A_604 = arith.select %lt3A_600, %broadcast_in_dim3A_603, %select_n3A_593 : vector<4096x128xi1>, vector<4096x128xf32>
    %slice3A_605 = vector.extract_strided_slice %dot_general3A_568 {offsets = [0, 384], sizes = [4096, 128], strides = [1, 1]} : vector<4096x2048xf32> to vector<4096x128xf32>
    %sub3A_606 = vector.broadcast %broadcast_in_dim3A : vector<4096x1xf32> to vector<4096x128xf32>
    %sub3A_607 = arith.subf %sub3A_606, %slice3A_605 : vector<4096x128xf32>
    %slice3A_608 = vector.extract_strided_slice %get3A_571 {offsets = [0, 384], sizes = [1, 128], strides = [1, 1]} : vector<1x2048xf32> to vector<1x128xf32>
    %add3A_609 = vector.broadcast %slice3A_608 : vector<1x128xf32> to vector<4096x128xf32>
    %add3A_610 = arith.addf %sub3A_607, %add3A_609 : vector<4096x128xf32>
    %lt3A_611 = arith.cmpf olt, %add3A_610, %min3A_601 : vector<4096x128xf32>
    %min3A_612 = arith.minimumf %min3A_601, %add3A_610 : vector<4096x128xf32>
    %jit3A_613 = arith.constant 5.100000e+01 : f32
    %broadcast_in_dim3A_614 = vector.broadcast %jit3A_613 : f32 to vector<4096x128xf32>
    %select_n3A_615 = arith.select %lt3A_611, %broadcast_in_dim3A_614, %select_n3A_604 : vector<4096x128xi1>, vector<4096x128xf32>
    %slice3A_616 = vector.extract_strided_slice %dot_general3A_568 {offsets = [0, 512], sizes = [4096, 128], strides = [1, 1]} : vector<4096x2048xf32> to vector<4096x128xf32>
    %sub3A_617 = vector.broadcast %broadcast_in_dim3A : vector<4096x1xf32> to vector<4096x128xf32>
    %sub3A_618 = arith.subf %sub3A_617, %slice3A_616 : vector<4096x128xf32>
    %slice3A_619 = vector.extract_strided_slice %get3A_571 {offsets = [0, 512], sizes = [1, 128], strides = [1, 1]} : vector<1x2048xf32> to vector<1x128xf32>
    %add3A_620 = vector.broadcast %slice3A_619 : vector<1x128xf32> to vector<4096x128xf32>
    %add3A_621 = arith.addf %sub3A_618, %add3A_620 : vector<4096x128xf32>
    %lt3A_622 = arith.cmpf olt, %add3A_621, %min3A_612 : vector<4096x128xf32>
    %min3A_623 = arith.minimumf %min3A_612, %add3A_621 : vector<4096x128xf32>
    %jit3A_624 = arith.constant 5.200000e+01 : f32
    %broadcast_in_dim3A_625 = vector.broadcast %jit3A_624 : f32 to vector<4096x128xf32>
    %select_n3A_626 = arith.select %lt3A_622, %broadcast_in_dim3A_625, %select_n3A_615 : vector<4096x128xi1>, vector<4096x128xf32>
    %slice3A_627 = vector.extract_strided_slice %dot_general3A_568 {offsets = [0, 640], sizes = [4096, 128], strides = [1, 1]} : vector<4096x2048xf32> to vector<4096x128xf32>
    %sub3A_628 = vector.broadcast %broadcast_in_dim3A : vector<4096x1xf32> to vector<4096x128xf32>
    %sub3A_629 = arith.subf %sub3A_628, %slice3A_627 : vector<4096x128xf32>
    %slice3A_630 = vector.extract_strided_slice %get3A_571 {offsets = [0, 640], sizes = [1, 128], strides = [1, 1]} : vector<1x2048xf32> to vector<1x128xf32>
    %add3A_631 = vector.broadcast %slice3A_630 : vector<1x128xf32> to vector<4096x128xf32>
    %add3A_632 = arith.addf %sub3A_629, %add3A_631 : vector<4096x128xf32>
    %lt3A_633 = arith.cmpf olt, %add3A_632, %min3A_623 : vector<4096x128xf32>
    %min3A_634 = arith.minimumf %min3A_623, %add3A_632 : vector<4096x128xf32>
    %jit3A_635 = arith.constant 5.300000e+01 : f32
    %broadcast_in_dim3A_636 = vector.broadcast %jit3A_635 : f32 to vector<4096x128xf32>
    %select_n3A_637 = arith.select %lt3A_633, %broadcast_in_dim3A_636, %select_n3A_626 : vector<4096x128xi1>, vector<4096x128xf32>
    %slice3A_638 = vector.extract_strided_slice %dot_general3A_568 {offsets = [0, 768], sizes = [4096, 128], strides = [1, 1]} : vector<4096x2048xf32> to vector<4096x128xf32>
    %sub3A_639 = vector.broadcast %broadcast_in_dim3A : vector<4096x1xf32> to vector<4096x128xf32>
    %sub3A_640 = arith.subf %sub3A_639, %slice3A_638 : vector<4096x128xf32>
    %slice3A_641 = vector.extract_strided_slice %get3A_571 {offsets = [0, 768], sizes = [1, 128], strides = [1, 1]} : vector<1x2048xf32> to vector<1x128xf32>
    %add3A_642 = vector.broadcast %slice3A_641 : vector<1x128xf32> to vector<4096x128xf32>
    %add3A_643 = arith.addf %sub3A_640, %add3A_642 : vector<4096x128xf32>
    %lt3A_644 = arith.cmpf olt, %add3A_643, %min3A_634 : vector<4096x128xf32>
    %min3A_645 = arith.minimumf %min3A_634, %add3A_643 : vector<4096x128xf32>
    %jit3A_646 = arith.constant 5.400000e+01 : f32
    %broadcast_in_dim3A_647 = vector.broadcast %jit3A_646 : f32 to vector<4096x128xf32>
    %select_n3A_648 = arith.select %lt3A_644, %broadcast_in_dim3A_647, %select_n3A_637 : vector<4096x128xi1>, vector<4096x128xf32>
    %slice3A_649 = vector.extract_strided_slice %dot_general3A_568 {offsets = [0, 896], sizes = [4096, 128], strides = [1, 1]} : vector<4096x2048xf32> to vector<4096x128xf32>
    %sub3A_650 = vector.broadcast %broadcast_in_dim3A : vector<4096x1xf32> to vector<4096x128xf32>
    %sub3A_651 = arith.subf %sub3A_650, %slice3A_649 : vector<4096x128xf32>
    %slice3A_652 = vector.extract_strided_slice %get3A_571 {offsets = [0, 896], sizes = [1, 128], strides = [1, 1]} : vector<1x2048xf32> to vector<1x128xf32>
    %add3A_653 = vector.broadcast %slice3A_652 : vector<1x128xf32> to vector<4096x128xf32>
    %add3A_654 = arith.addf %sub3A_651, %add3A_653 : vector<4096x128xf32>
    %lt3A_655 = arith.cmpf olt, %add3A_654, %min3A_645 : vector<4096x128xf32>
    %min3A_656 = arith.minimumf %min3A_645, %add3A_654 : vector<4096x128xf32>
    %jit3A_657 = arith.constant 5.500000e+01 : f32
    %broadcast_in_dim3A_658 = vector.broadcast %jit3A_657 : f32 to vector<4096x128xf32>
    %select_n3A_659 = arith.select %lt3A_655, %broadcast_in_dim3A_658, %select_n3A_648 : vector<4096x128xi1>, vector<4096x128xf32>
    %slice3A_660 = vector.extract_strided_slice %dot_general3A_568 {offsets = [0, 1024], sizes = [4096, 128], strides = [1, 1]} : vector<4096x2048xf32> to vector<4096x128xf32>
    %sub3A_661 = vector.broadcast %broadcast_in_dim3A : vector<4096x1xf32> to vector<4096x128xf32>
    %sub3A_662 = arith.subf %sub3A_661, %slice3A_660 : vector<4096x128xf32>
    %slice3A_663 = vector.extract_strided_slice %get3A_571 {offsets = [0, 1024], sizes = [1, 128], strides = [1, 1]} : vector<1x2048xf32> to vector<1x128xf32>
    %add3A_664 = vector.broadcast %slice3A_663 : vector<1x128xf32> to vector<4096x128xf32>
    %add3A_665 = arith.addf %sub3A_662, %add3A_664 : vector<4096x128xf32>
    %lt3A_666 = arith.cmpf olt, %add3A_665, %min3A_656 : vector<4096x128xf32>
    %min3A_667 = arith.minimumf %min3A_656, %add3A_665 : vector<4096x128xf32>
    %jit3A_668 = arith.constant 5.600000e+01 : f32
    %broadcast_in_dim3A_669 = vector.broadcast %jit3A_668 : f32 to vector<4096x128xf32>
    %select_n3A_670 = arith.select %lt3A_666, %broadcast_in_dim3A_669, %select_n3A_659 : vector<4096x128xi1>, vector<4096x128xf32>
    %slice3A_671 = vector.extract_strided_slice %dot_general3A_568 {offsets = [0, 1152], sizes = [4096, 128], strides = [1, 1]} : vector<4096x2048xf32> to vector<4096x128xf32>
    %sub3A_672 = vector.broadcast %broadcast_in_dim3A : vector<4096x1xf32> to vector<4096x128xf32>
    %sub3A_673 = arith.subf %sub3A_672, %slice3A_671 : vector<4096x128xf32>
    %slice3A_674 = vector.extract_strided_slice %get3A_571 {offsets = [0, 1152], sizes = [1, 128], strides = [1, 1]} : vector<1x2048xf32> to vector<1x128xf32>
    %add3A_675 = vector.broadcast %slice3A_674 : vector<1x128xf32> to vector<4096x128xf32>
    %add3A_676 = arith.addf %sub3A_673, %add3A_675 : vector<4096x128xf32>
    %lt3A_677 = arith.cmpf olt, %add3A_676, %min3A_667 : vector<4096x128xf32>
    %min3A_678 = arith.minimumf %min3A_667, %add3A_676 : vector<4096x128xf32>
    %jit3A_679 = arith.constant 5.700000e+01 : f32
    %broadcast_in_dim3A_680 = vector.broadcast %jit3A_679 : f32 to vector<4096x128xf32>
    %select_n3A_681 = arith.select %lt3A_677, %broadcast_in_dim3A_680, %select_n3A_670 : vector<4096x128xi1>, vector<4096x128xf32>
    %slice3A_682 = vector.extract_strided_slice %dot_general3A_568 {offsets = [0, 1280], sizes = [4096, 128], strides = [1, 1]} : vector<4096x2048xf32> to vector<4096x128xf32>
    %sub3A_683 = vector.broadcast %broadcast_in_dim3A : vector<4096x1xf32> to vector<4096x128xf32>
    %sub3A_684 = arith.subf %sub3A_683, %slice3A_682 : vector<4096x128xf32>
    %slice3A_685 = vector.extract_strided_slice %get3A_571 {offsets = [0, 1280], sizes = [1, 128], strides = [1, 1]} : vector<1x2048xf32> to vector<1x128xf32>
    %add3A_686 = vector.broadcast %slice3A_685 : vector<1x128xf32> to vector<4096x128xf32>
    %add3A_687 = arith.addf %sub3A_684, %add3A_686 : vector<4096x128xf32>
    %lt3A_688 = arith.cmpf olt, %add3A_687, %min3A_678 : vector<4096x128xf32>
    %min3A_689 = arith.minimumf %min3A_678, %add3A_687 : vector<4096x128xf32>
    %jit3A_690 = arith.constant 5.800000e+01 : f32
    %broadcast_in_dim3A_691 = vector.broadcast %jit3A_690 : f32 to vector<4096x128xf32>
    %select_n3A_692 = arith.select %lt3A_688, %broadcast_in_dim3A_691, %select_n3A_681 : vector<4096x128xi1>, vector<4096x128xf32>
    %slice3A_693 = vector.extract_strided_slice %dot_general3A_568 {offsets = [0, 1408], sizes = [4096, 128], strides = [1, 1]} : vector<4096x2048xf32> to vector<4096x128xf32>
    %sub3A_694 = vector.broadcast %broadcast_in_dim3A : vector<4096x1xf32> to vector<4096x128xf32>
    %sub3A_695 = arith.subf %sub3A_694, %slice3A_693 : vector<4096x128xf32>
    %slice3A_696 = vector.extract_strided_slice %get3A_571 {offsets = [0, 1408], sizes = [1, 128], strides = [1, 1]} : vector<1x2048xf32> to vector<1x128xf32>
    %add3A_697 = vector.broadcast %slice3A_696 : vector<1x128xf32> to vector<4096x128xf32>
    %add3A_698 = arith.addf %sub3A_695, %add3A_697 : vector<4096x128xf32>
    %lt3A_699 = arith.cmpf olt, %add3A_698, %min3A_689 : vector<4096x128xf32>
    %min3A_700 = arith.minimumf %min3A_689, %add3A_698 : vector<4096x128xf32>
    %jit3A_701 = arith.constant 5.900000e+01 : f32
    %broadcast_in_dim3A_702 = vector.broadcast %jit3A_701 : f32 to vector<4096x128xf32>
    %select_n3A_703 = arith.select %lt3A_699, %broadcast_in_dim3A_702, %select_n3A_692 : vector<4096x128xi1>, vector<4096x128xf32>
    %slice3A_704 = vector.extract_strided_slice %dot_general3A_568 {offsets = [0, 1536], sizes = [4096, 128], strides = [1, 1]} : vector<4096x2048xf32> to vector<4096x128xf32>
    %sub3A_705 = vector.broadcast %broadcast_in_dim3A : vector<4096x1xf32> to vector<4096x128xf32>
    %sub3A_706 = arith.subf %sub3A_705, %slice3A_704 : vector<4096x128xf32>
    %slice3A_707 = vector.extract_strided_slice %get3A_571 {offsets = [0, 1536], sizes = [1, 128], strides = [1, 1]} : vector<1x2048xf32> to vector<1x128xf32>
    %add3A_708 = vector.broadcast %slice3A_707 : vector<1x128xf32> to vector<4096x128xf32>
    %add3A_709 = arith.addf %sub3A_706, %add3A_708 : vector<4096x128xf32>
    %lt3A_710 = arith.cmpf olt, %add3A_709, %min3A_700 : vector<4096x128xf32>
    %min3A_711 = arith.minimumf %min3A_700, %add3A_709 : vector<4096x128xf32>
    %jit3A_712 = arith.constant 6.000000e+01 : f32
    %broadcast_in_dim3A_713 = vector.broadcast %jit3A_712 : f32 to vector<4096x128xf32>
    %select_n3A_714 = arith.select %lt3A_710, %broadcast_in_dim3A_713, %select_n3A_703 : vector<4096x128xi1>, vector<4096x128xf32>
    %slice3A_715 = vector.extract_strided_slice %dot_general3A_568 {offsets = [0, 1664], sizes = [4096, 128], strides = [1, 1]} : vector<4096x2048xf32> to vector<4096x128xf32>
    %sub3A_716 = vector.broadcast %broadcast_in_dim3A : vector<4096x1xf32> to vector<4096x128xf32>
    %sub3A_717 = arith.subf %sub3A_716, %slice3A_715 : vector<4096x128xf32>
    %slice3A_718 = vector.extract_strided_slice %get3A_571 {offsets = [0, 1664], sizes = [1, 128], strides = [1, 1]} : vector<1x2048xf32> to vector<1x128xf32>
    %add3A_719 = vector.broadcast %slice3A_718 : vector<1x128xf32> to vector<4096x128xf32>
    %add3A_720 = arith.addf %sub3A_717, %add3A_719 : vector<4096x128xf32>
    %lt3A_721 = arith.cmpf olt, %add3A_720, %min3A_711 : vector<4096x128xf32>
    %min3A_722 = arith.minimumf %min3A_711, %add3A_720 : vector<4096x128xf32>
    %jit3A_723 = arith.constant 6.100000e+01 : f32
    %broadcast_in_dim3A_724 = vector.broadcast %jit3A_723 : f32 to vector<4096x128xf32>
    %select_n3A_725 = arith.select %lt3A_721, %broadcast_in_dim3A_724, %select_n3A_714 : vector<4096x128xi1>, vector<4096x128xf32>
    %slice3A_726 = vector.extract_strided_slice %dot_general3A_568 {offsets = [0, 1792], sizes = [4096, 128], strides = [1, 1]} : vector<4096x2048xf32> to vector<4096x128xf32>
    %sub3A_727 = vector.broadcast %broadcast_in_dim3A : vector<4096x1xf32> to vector<4096x128xf32>
    %sub3A_728 = arith.subf %sub3A_727, %slice3A_726 : vector<4096x128xf32>
    %slice3A_729 = vector.extract_strided_slice %get3A_571 {offsets = [0, 1792], sizes = [1, 128], strides = [1, 1]} : vector<1x2048xf32> to vector<1x128xf32>
    %add3A_730 = vector.broadcast %slice3A_729 : vector<1x128xf32> to vector<4096x128xf32>
    %add3A_731 = arith.addf %sub3A_728, %add3A_730 : vector<4096x128xf32>
    %lt3A_732 = arith.cmpf olt, %add3A_731, %min3A_722 : vector<4096x128xf32>
    %min3A_733 = arith.minimumf %min3A_722, %add3A_731 : vector<4096x128xf32>
    %jit3A_734 = arith.constant 6.200000e+01 : f32
    %broadcast_in_dim3A_735 = vector.broadcast %jit3A_734 : f32 to vector<4096x128xf32>
    %select_n3A_736 = arith.select %lt3A_732, %broadcast_in_dim3A_735, %select_n3A_725 : vector<4096x128xi1>, vector<4096x128xf32>
    %slice3A_737 = vector.extract_strided_slice %dot_general3A_568 {offsets = [0, 1920], sizes = [4096, 128], strides = [1, 1]} : vector<4096x2048xf32> to vector<4096x128xf32>
    %sub3A_738 = vector.broadcast %broadcast_in_dim3A : vector<4096x1xf32> to vector<4096x128xf32>
    %sub3A_739 = arith.subf %sub3A_738, %slice3A_737 : vector<4096x128xf32>
    %slice3A_740 = vector.extract_strided_slice %get3A_571 {offsets = [0, 1920], sizes = [1, 128], strides = [1, 1]} : vector<1x2048xf32> to vector<1x128xf32>
    %add3A_741 = vector.broadcast %slice3A_740 : vector<1x128xf32> to vector<4096x128xf32>
    %add3A_742 = arith.addf %sub3A_739, %add3A_741 : vector<4096x128xf32>
    %lt3A_743 = arith.cmpf olt, %add3A_742, %min3A_733 : vector<4096x128xf32>
    %min3A_744 = arith.minimumf %min3A_733, %add3A_742 : vector<4096x128xf32>
    %jit3A_745 = arith.constant 6.300000e+01 : f32
    %broadcast_in_dim3A_746 = vector.broadcast %jit3A_745 : f32 to vector<4096x128xf32>
    %select_n3A_747 = arith.select %lt3A_743, %broadcast_in_dim3A_746, %select_n3A_736 : vector<4096x128xi1>, vector<4096x128xf32>
    %mul3A_748 = arith.constant 1.280000e+02 : f32
    %mul3A_749 = vector.broadcast %mul3A_748 : f32 to vector<4096x128xf32>
    %mul3A_750 = arith.mulf %select_n3A_747, %mul3A_749 : vector<4096x128xf32>
    %add3A_751 = arith.addf %mul3A_750, %convert_element_type3A_13 : vector<4096x128xf32>
    %reduce_min3A = arith.constant dense<0x7F800000> : vector<4096xf32>
    %reduce_min3A_752 = vector.multi_reduction <minimumf>, %min3A_744, %reduce_min3A [1] : vector<4096x128xf32> to vector<4096xf32>
    %broadcast_in_dim3A_753 = vector.shape_cast %reduce_min3A_752 : vector<4096xf32> to vector<4096x1xf32>
    %eq3A_754 = vector.broadcast %broadcast_in_dim3A_753 : vector<4096x1xf32> to vector<4096x128xf32>
    %eq3A_755 = arith.cmpf oeq, %min3A_744, %eq3A_754 : vector<4096x128xf32>
    %jit3A_756 = arith.constant 8.192000e+03 : f32
    %broadcast_in_dim3A_757 = vector.broadcast %jit3A_756 : f32 to vector<4096x128xf32>
    %select_n3A_758 = arith.select %eq3A_755, %add3A_751, %broadcast_in_dim3A_757 : vector<4096x128xi1>, vector<4096x128xf32>
    %reduce_min3A_759 = arith.constant dense<0x7F800000> : vector<4096xf32>
    %reduce_min3A_760 = vector.multi_reduction <minimumf>, %select_n3A_758, %reduce_min3A_759 [1] : vector<4096x128xf32> to vector<4096xf32>
    %broadcast_in_dim3A_761 = vector.shape_cast %reduce_min3A_760 : vector<4096xf32> to vector<4096x1xf32>
    %convert_element_type3A_762 = arith.fptosi %broadcast_in_dim3A_761 : vector<4096x1xf32> to vector<4096x1xi32>
    %swap3A = arith.constant 0 : index
    %swap3A_763 = arith.constant 0 : index
    %swap3A_764 = vector.load %arg5[%swap3A, %swap3A_763] : memref<4096x1xi32, #tpu.memory_space<vmem>>, vector<4096x1xi32>
    tpu.vector_store %arg5[%swap3A, %swap3A_763], %convert_element_type3A_762 {strides = array<i32>} : memref<4096x1xi32, #tpu.memory_space<vmem>>, vector<4096x1xi32>,
    %reduce_sum3A_765 = vector.shape_cast %broadcast_in_dim3A_753 : vector<4096x1xf32> to vector<1x4096x1xf32>
    %reduce_sum3A_766 = arith.constant dense<0.000000e+00> : vector<1xf32>
    %reduce_sum3A_767 = vector.multi_reduction <add>, %reduce_sum3A_765, %reduce_sum3A_766 [1, 2] : vector<1x4096x1xf32> to vector<1xf32>
    %reduce_sum3A_768 = vector.shape_cast %reduce_sum3A_767 : vector<1xf32> to vector<1x1x1xf32>
    %reduce_sum3A_769 = vector.extract %reduce_sum3A_768[0, 0, 0] : f32 from vector<1x1x1xf32>
    %broadcast_in_dim3A_770 = vector.broadcast %reduce_sum3A_769 : f32 to vector<1x1x128xf32>
    %swap3A_771 = arith.constant 0 : index
    %swap3A_772 = arith.constant 0 : index
    %swap3A_773 = arith.constant 0 : index
    %swap3A_774 = vector.load %arg6[%swap3A_771, %swap3A_772, %swap3A_773] : memref<1x1x128xf32, #tpu.memory_space<vmem>>, vector<1x1x128xf32>
    tpu.vector_store %arg6[%swap3A_771, %swap3A_772, %swap3A_773], %broadcast_in_dim3A_770 {strides = array<i32>} : memref<1x1x128xf32, #tpu.memory_space<vmem>>, vector<1x1x128xf32>,
    return
  }
  func.func @transform_0(%arg0: i32) -> (i32, i32) {
    %c0_i32 = arith.constant 0 : i32
    %c0_i32_0 = arith.constant 0 : i32
    return %arg0, %c0_i32 : i32, i32
  }
  func.func @transform_1(%arg0: i32) -> (i32, i32) {
    %c0_i32 = arith.constant 0 : i32
    %c0_i32_0 = arith.constant 0 : i32
    %c0_i32_1 = arith.constant 0 : i32
    return %c0_i32, %c0_i32_0 : i32, i32
  }
  func.func @transform_2(%arg0: i32) -> (i32, i32) {
    %c0_i32 = arith.constant 0 : i32
    %c0_i32_0 = arith.constant 0 : i32
    %c0_i32_1 = arith.constant 0 : i32
    return %c0_i32, %c0_i32_0 : i32, i32
  }
  func.func @transform_3(%arg0: i32) -> (i32, i32) {
    %c0_i32 = arith.constant 0 : i32
    %c0_i32_0 = arith.constant 0 : i32
    %c0_i32_1 = arith.constant 0 : i32
    return %c0_i32, %c0_i32_0 : i32, i32
  }
  func.func @transform_4(%arg0: i32) -> (i32, i32) {
    %c0_i32 = arith.constant 0 : i32
    %c0_i32_0 = arith.constant 0 : i32
    return %arg0, %c0_i32 : i32, i32
  }
  func.func @transform_5(%arg0: i32) -> (i32, i32, i32) {
    %c0_i32 = arith.constant 0 : i32
    %c0_i32_0 = arith.constant 0 : i32
    %c0_i32_1 = arith.constant 0 : i32
    return %arg0, %c0_i32, %c0_i32_0 : i32, i32, i32
  }
}

</mosaic_0001>

<sc_bundles>
// kernel: kernel.4.cloned.1.call-start
scs
__scs_entry_jumppad:
0x0: {  	(pc) =	sbr.rel $0x88, $3  }
0x1: {  	(tag) =	ssettag $0x0;
	lr =	simm.s32 $0x1  }
0x2: {  	[smem:$0x3F9D] =	sst lr;
	_ =	strace $0xD0000000  }
0x3: {  	_ = 	snop  }
0x4: {  	_ = 	snop  }
0x5: {  	_ = 	snop  }
0x6: {  	_ = 	snop  }
0x7: {  	_ = 	snop  }
__scs_overlays_trampoline_lowered:
0x8: {  	[smem:$0x3FAC] =	sst s0  }
0x9: {  	[smem:$0x3FAD] =	sst s1  }
0xa: {  	[smem:$0x3FAE] =	sst s2  }
0xb: {  	[smem:$0x3FAF] =	sst s3  }
0xc: {  	[smem:$0x3FB0] =	sst s4  }
0xd: {  	[smem:$0x3FB1] =	sst s5  }
0xe: {  	[smem:$0x3FB2] =	sst s6  }
0xf: {  	[smem:$0x3FB3] =	sst s7  }
0x10: {  	[smem:$0x3FB4] =	sst s8  }
0x11: {  	[smem:$0x3FB5] =	sst s9;
	s0 =	simm.s32 @!p0 $0x0  }
0x12: {  	s1 =	sld [smem:$0x3F9B];
	s0 =	simm.s32 @p0 $0x1  }
0x13: {  	[smem:$0x3FB6] =	sst s0;
	s0 =	simm.s32 @!p1 $0x0  }
0x14: {  	s2 =	sld [smem:$0x3F9A];
	s0 =	simm.s32 @p1 $0x1  }
0x15: {  	[smem:$0x3FB7] =	sst s0;
	s0 =	simm.s32 @!p2 $0x0  }
0x16: {  	s3 =	sld [smem:$0x3FDB];
	s0 =	simm.s32 @p2 $0x1  }
0x17: {  	s4 =	simm.s32 $0x1BF5;
	[smem:$0x3FB9] =	sst s0  }
0x18: {  	s0 =	sld [smem:$0x3F9C];
	_ =	swait.ge [sflag:s4], $0x0  }
0x19: {  	s7 =	sld [smem:$0x3F9D]  }
0x1a: {  	s8 =	sadd.s32 $0xFFFFE003, lr  }
0x1b: {  	s9 =	sadd.s32 $0xFFFFFEF7, lr;
	s5 =	simm.s32 $0xFFFFFFFF;
	p2 =	slt.u32 s8, $0xFFFFF086  }
0x1c: {  	p1 =	slt.u32 s9, $0xF7A;
	s5 =	simm.s32 @!p2 $0x0  }
0x1d: {  	s5 =	simm.s32 @p1 $0x1;
	p0 =	seq.s32 s7, s2  }
0x1e: {  	s7 =	smul.u32 @!p0 $0xF7A, s2;
	p2 =	seq.s32 @!p0 s5, $0x0  }
0x1f: {  	s9 =	smul.u32 $0xF7A, s1;
	s8 =	simm.s32 @!p0 $0x1BF5;
	p2 =	por !p2, p0  }
0x20: {  	[sflag:s8] =	ssyncset.s32 @!p0 $0xFFFFF086;
	s6 =	sadd.s32 @!p0 s3, s7;
	s7 =	simm.s32 @!p0 $0x108  }
0x21: {  	s3 =	sadd.s32 s3, s9;
	s6 =	sadd.s32 @!p0 $0x88, s6;
	s7 =	simm.s32 @p2 $0x1082  }
0x22: {  	[simem:s7], [sflag:s8] =	dma.local @!p0 [hbm:s6], $0xF7A  }
0x23: {  	s9 =	sor.u32 $0xD0000000, s2;
	s6 =	simm.s32 $0x108;
	_ =	swait.ge @!p0 [sflag:s8], $0x0  }
0x24: {  	s3 =	sadd.s32 $0x88, s3;
	s6 =	simm.s32 @!p1 $0x1082;
	[sflag:s4] =	ssyncset.s32 $0xFFFFF086  }
0x25: {  	[simem:s6], [sflag:s4] =	dma.local [hbm:s3], $0xF7A  }
0x26: {  	[smem:$0x3F9D] =	sst s1;
	(tag) =	ssettag s2;
	_ =	strace s9  }
0x27: {  	s1 =	sld [smem:$0x3FAD]  }
0x28: {  	s2 =	sld [smem:$0x3FAE]  }
0x29: {  	s4 =	sld [smem:$0x3FB0]  }
0x2a: {  	p0 =	seq.s32 s5, $0x0;
	s5 =	sld [smem:$0x3FB1]  }
0x2b: {  	s6 =	sld [smem:$0x3FB2]  }
0x2c: {  	s7 =	sld [smem:$0x3FB3]  }
0x2d: {  	s3 =	simm.s32 $0x108;
	s8 =	sld [smem:$0x3FB4]  }
0x2e: {  	s3 =	simm.s32 @!p0 $0x1082;
	s9 =	sld [smem:$0x3FB5]  }
0x2f: {  	lr =	sadd.s32 s0, s3;
	s0 =	sld [smem:$0x3FAC]  }
0x30: {  	s3 =	sld [smem:$0x3FAF]  }
0x31: {  	[smem:$0x3FB8] =	sst s10  }
0x32: {  	s10 =	sld [smem:$0x3FB6];
	_ =	sdelay $0x3  }
0x33: {  	p0 =	seq.s32 s10, $0x1;
	s10 =	sld [smem:$0x3FB8];
	_ =	sdelay $0x3  }
0x34: {  	[smem:$0x3FB8] =	sst s10  }
0x35: {  	s10 =	sld [smem:$0x3FB7];
	_ =	sdelay $0x3  }
0x36: {  	p1 =	seq.s32 s10, $0x1;
	s10 =	sld [smem:$0x3FB8];
	_ =	sdelay $0x3  }
0x37: {  	[smem:$0x3FB8] =	sst s10  }
0x38: {  	s10 =	sld [smem:$0x3FB9]  }
0x39: {  	_ = 	snop;
	(pc) =	sbr.ind lr, $3  }
0x3a: {  	_ = 	snop  }
0x3b: {  	_ = 	snop  }
0x3c: {  	p2 =	seq.s32 s10, $0x1;
	s10 =	sld [smem:$0x3FB8]  }
0x3d: {  	_ =	shalt  }
0x3e: {  	_ =	shalt  }
0x3f: {  	_ =	shalt  }
0x40: {  	_ =	shalt  }
0x41: {  	_ =	shalt  }
0x42: {  	_ =	shalt  }
0x43: {  	_ =	shalt  }
0x44: {  	_ =	shalt  }
0x45: {  	_ =	shalt  }
0x46: {  	_ =	shalt  }
0x47: {  	_ =	shalt  }
0x48: {  	_ =	shalt  }
0x49: {  	_ =	shalt  }
0x4a: {  	_ =	shalt  }
0x4b: {  	_ =	shalt  }
0x4c: {  	_ =	shalt  }
0x4d: {  	_ =	shalt  }
0x4e: {  	_ =	shalt  }
0x4f: {  	_ =	shalt  }
0x50: {  	_ =	shalt  }
0x51: {  	_ =	shalt  }
0x52: {  	_ =	shalt  }
0x53: {  	_ =	shalt  }
0x54: {  	_ =	shalt  }
0x55: {  	_ =	shalt  }
0x56: {  	_ =	shalt  }
0x57: {  	_ =	shalt  }
0x58: {  	_ =	shalt  }
0x59: {  	_ =	shalt  }
0x5a: {  	_ =	shalt  }
0x5b: {  	_ =	shalt  }
0x5c: {  	_ =	shalt  }
0x5d: {  	_ =	shalt  }
0x5e: {  	_ =	shalt  }
0x5f: {  	_ =	shalt  }
0x60: {  	_ =	shalt  }
0x61: {  	_ =	shalt  }
0x62: {  	_ =	shalt  }
0x63: {  	_ =	shalt  }
0x64: {  	_ =	shalt  }
0x65: {  	_ =	shalt  }
0x66: {  	_ =	shalt  }
0x67: {  	_ =	shalt  }
0x68: {  	_ =	shalt  }
0x69: {  	_ =	shalt  }
0x6a: {  	_ =	shalt  }
0x6b: {  	_ =	shalt  }
0x6c: {  	_ =	shalt  }
0x6d: {  	_ =	shalt  }
0x6e: {  	_ =	shalt  }
0x6f: {  	_ =	shalt  }
0x70: {  	_ =	shalt  }
0x71: {  	_ =	shalt  }
0x72: {  	_ =	shalt  }
0x73: {  	_ =	shalt  }
0x74: {  	_ =	shalt  }
0x75: {  	_ =	shalt  }
0x76: {  	_ =	shalt  }
0x77: {  	_ =	shalt  }
0x78: {  	_ =	shalt  }
0x79: {  	_ =	shalt  }
0x7a: {  	_ =	shalt  }
0x7b: {  	_ =	shalt  }
0x7c: {  	_ =	shalt  }
0x7d: {  	_ =	shalt  }
0x7e: {  	_ =	shalt  }
0x7f: {  	_ =	shalt  }
0x80: {  	_ =	shalt  }
0x81: {  	_ =	shalt  }
0x82: {  	_ =	shalt  }
0x83: {  	_ =	shalt  }
0x84: {  	_ =	shalt  }
0x85: {  	_ =	shalt  }
0x86: {  	_ =	shalt  }
0x87: {  	_ =	shalt  }
.Lfunc_end0:
.L_simem_size_0:
called_computation_lowered:
.L_overlay_start_0:
0x88: {  	s2 =	sld [smem:$0x3FD9]  }
0x89: {  	s3 =	sld [smem:$0x3FFE];
	_ =	sdelay $0x1  }
0x8a: {  	s1 =	srdreg.scid  }
0x8b: {  	s0 =	sand.u32 $0x1, s1  }
0x8c: {  	s14 =	sshll.u32 s0, $0xA;
	s2 =	sadd.s32 s3, s2  }
0x8d: {  	s2 =	sadd.s32 s2, s14  }
0x8e: {  	[smem:$0x3FC4] =	sst s2  }
0x8f: {  	_ = 	snop  }
0x90: {  	s2 =	sld [smem:$0x3FD0];
	_ =	sdelay $0x2  }
0x91: {  	s15 =	simm.s32 $0xA;
	s4 =	simm.s32 $0x10  }
0x92: {  	[smem:s4], [sflag:s15] =	dma.local [hbm:s2], $0x1  }
0x93: {  	_ =	swait.eq [sflag:s15], $0x1  }
0x94: {  	[sflag:s15] =	ssyncset.done $0x0  }
0x95: {  	[sflag:s15] =	ssyncadd.s32 $0xFFFFFFFF  }
0x96: {  	s16 =	sld [smem:$0x10];
	(tm) =	ssettm $0x1  }
0x97: {  	s17 =	sld [smem:$0x3FFB];
	_ =	sdelay $0x3  }
0x98: {  	_ =	strace s17  }
0x99: {  	s3 =	sld [smem:$0x3FFC];
	_ =	sdelay $0x3  }
0x9a: {  	_ =	strace s3  }
0x9b: {  	s3 =	sld [smem:$0x3FFD];
	_ =	sdelay $0x3  }
0x9c: {  	_ =	strace s3  }
0x9d: {  	_ =	strace $0x8FFFFFFF  }
0x9e: {  	s18 =	sld [smem:$0x3FDB];
	_ =	sdelay $0x1  }
0x9f: {  	s19 =	simm.s32 $_scs_section_size  }
0xa0: {  	s5 =	simm.s32 $_size__tile_overlayer_lowered;
	s6 =	simm.s32 $_tile_overlayer_lowered  }
0xa1: {  	s22 =	simm.s32 $0x1BFF;
	s21 =	sshll.u32 s6, $0x1;
	s3 =	sadd.s32 s19, s18  }
0xa2: {  	s7 =	simm.s32 $0x0;
	s20 =	sshll.u32 s5, $0x1;
	s5 =	sadd.s32 s21, s3  }
0xa3: {  	[timem:s7], [sflag:s22] =	dma.local [hbm:s5], s20  }
0xa4: {  	_ =	swait.ge [sflag:s22], s20  }
0xa5: {  	s4 =	ssub.s32 $0x0, s20;
	[sflag:s22] =	ssyncset.done $0x0  }
0xa6: {  	[sflag:s22] =	ssyncadd.s32 s4;
	_ =	sdelay $0x1  }
0xa7: {  	s23 =	simm.s32 $0x1B8B  }
0xa8: {  	_ =	swait.ge [sflag:s23], $0x1  }
0xa9: {  	[sflag:s23] =	ssyncset.done $0x0  }
0xaa: {  	s25 =	simm.s32 $0x1B8E;
	s24 =	sld [smem:$0x3FFE];
	[sflag:s23] =	ssyncadd.s32 $0xFFFFFFFF  }
0xab: {  	s26 =	simm.s32 $execute0_lowered;
	[smem:$0x3FD2] =	sst s25  }
0xac: {  	s5 =	sshll.u32 s26, $0x1;
	_ =	strace $0x80000046;
	[dreg:$0x1] =	wrdreg $0xFFFFFFFF  }
0xad: {  	s28 =	simm.s32 $_size_execute0_lowered;
	s3 =	sadd.s32 s3, s5;
	[dreg:$0x0] =	wrdreg $0x0  }
0xae: {  	s5 =	sshll.u32 s28, $0x1;
	[dreg:$0x2] =	wrdreg s3  }
0xaf: {  	[dreg:$0x3] =	wrdreg s5  }
0xb0: {  	[dreg:$0x4] =	wrdreg $0xC0  }
0xb1: {  	_ =	task [dreg:s7], $0x5FFFF  }
0xb2: {  	[dreg:$0x1] =	wrdreg $0xFFFFFFFF  }
0xb3: {  	[dreg:$0x0] =	wrdreg $0x60  }
0xb4: {  	[dreg:$0x2] =	wrdreg s16  }
0xb5: {  	[dreg:$0x3] =	wrdreg s24  }
0xb6: {  	[dreg:$0x4] =	wrdreg $0x9  }
0xb7: {  	_ =	task.clear_ibuf [dreg:s7], $0x5FFFF;
	_ =	strace $0x90000046  }
0xb8: {  	s29 =	simm.s32 $0x9;
	_ =	strace $0x80000048  }
0xb9: {  	_ =	swait.ge [sflag:s29], $0x1  }
0xba: {  	[sflag:s29] =	ssyncadd.s32 $0xFFFFFFFF  }
0xbb: {  	_ =	strace $0x90000048  }
0xbc: {  	_ =	sfence  }
0xbd: {  	s30 =	sld [smem:$0x0];
	_ =	sdelay $0x2  }
0xbe: {  	s31 =	sshll.u32 s1, $0xD;
	s1 =	sshrl.u32 s1, $0x2  }
0xbf: {  	s3 =	sand.u32 $0x4000, s31;
	s1 =	sadd.s32 s1, s30  }
0xc0: {  	s0 =	sor.u32 s3, s0;
	s1 =	sshll.u32 s1, $0x11  }
0xc1: {  	s0 =	sor.u32 s1, s0  }
0xc2: {  	s0 =	sadd.s32 $0x8F2B, s0  }
0xc3: {  	[sflag:s0] =	ssyncadd.remote.s32 $0x1  }
0xc4: {  	_ =	sfence.sel $0xFFFF  }
0xc5: {  	[dreg:$0x0] =	wrdreg $0xFFFFFFFF;
	(pc) =	sbr.abs _section_cstart, $3  }
0xc6: {  	[dreg:$0x1] =	wrdreg $0xFFFFFFFF  }
0xc7: {  	_ =	task.clear_ibuf [dreg:s7], $0x2FFFF;
	_ =	strace $0x9FFFFFFF  }
0xc8: {  	(tm) =	ssettm $0x7FFFFFFF  }
0xc9: {  	_ =	shalt  }
tec
execute0_lowered:
.L_overlay_start_1:
0x0: {  	(tag) =	ssettag $0x1  }
0x1: {  	s1 =	srdreg.scid  }
0x2: {  	s2 =	rddreg [dreg:$0x0];
	s0 =	stileid.u32;
	s13 =	sand.u32 $0x1, s1  }
0x3: {  	s11 =	rddreg [dreg:$0x1];
	s4 =	sshll.u32 s0, $0x8;
	s5 =	sshll.u32 s13, $0x7  }
0x4: {  	s3 =	simm.s32 $0x0;
	s1 =	rddreg [dreg:$0x2];
	s12 =	sor.u32 s5, s4  }
0x5: {  	[smem:$0x7FF] =	sst s3;
	s8 =	sadd.s32 $0x800, s11;
	s4 =	sshrl.u32 s12, $0x3  }
0x6: {  	_ =	strace $0x80000047;
	s5 =	simm.s32 $0x5;
	s4 =	sadd.s32 s8, s4  }
0x7: {  	[tilespmem:s3], [sflag:$0x5] =	stream.linear.gather [hbm4b:s4+s3], $0x40, $0x38;
	[tilespmem:$0x1080] =	vst v63  }
0x8: {  	_ =	swait.ge [sflag:s5], $0x40  }
0x9: {  	s6 =	simm.s32 $0x40;
	s14 =	sor.u32 $0x40, s12;
	[sflag:s5] =	ssyncset.done $0x0  }
0xa: {  	s7 =	simm.s32 $0x80;
	s9 =	sshrl.u32 s14, $0x3;
	[sflag:s5] =	ssyncadd.s32 $0xFFFFFFC0  }
0xb: {  	[tilespmem:s7], [sflag:$0x1] =	stream.indirect.gather [hbm4b:s2+s6], $0x20, s3, s6, $0xb8;
	[tilespmem:$0x1080] =	vst v63  }
0xc: {  	s8 =	sadd.s32 s8, s9  }
0xd: {  	[tilespmem:s6], [sflag:$0x5] =	stream.linear.gather [hbm4b:s8+s3], $0x40, $0x38;
	[tilespmem:$0x1080] =	vst v63  }
0xe: {  	_ =	swait.ge [sflag:s5], $0x40  }
0xf: {  	s10 =	simm.s32 $0x1;
	[sflag:s5] =	ssyncset.done $0x0  }
0x10: {  	s16 =	ssub.s32 $0x2, s13;
	s9 =	simm.s32 $0x880;
	[sflag:s5] =	ssyncadd.s32 $0xFFFFFFC0  }
0x11: {  	[tilespmem:s9], [sflag:$0x2] =	stream.indirect.gather [hbm4b:s2+s6], $0x20, s6, s6, $0xb8;
	[tilespmem:$0x1080] =	vst v63  }
0x12: {  	s15 =	sadd.s32 $0xA00, s11;
	s31 =	sshrl.u32 s16, $0x1;
	_ =	swait.ge [sflag:s10], $0x800  }
0x13: {  	s29 =	sshll.u32 s12, $0x2;
	s12 =	simm.s32 $0x2;
	[sflag:s10] =	ssyncset.done $0x0  }
0x14: {  	s11 =	sadd.s32 s15, s29;
	s30 =	sshll.u32 s14, $0x2;
	[sflag:s10] =	ssyncadd.s32 $0xFFFFF800  }
0x15: {  	[hbm4b:s11+s3] =	stream.linear.scatter [tilespmem:s7], [sflag:$0x3], $0x800, $0x38;
	[tilespmem:$0x1080] =	vst v63  }
0x16: {  	s13 =	sadd.s32 s15, s30;
	s15 =	ssub.s32 s16, s31;
	_ =	swait.ge [sflag:s12], $0x800  }
0x17: {  	s16 =	smax.u32 s15, $0x1;
	[sflag:s12] =	ssyncset.done $0x0  }
0x18: {  	s14 =	simm.s32 $0x3;
	p0 =	sne.s32 s16, $0x1;
	[sflag:s12] =	ssyncadd.s32 $0xFFFFF800  }
0x19: {  	[hbm4b:s13+s3] =	stream.linear.scatter [tilespmem:s9], [sflag:$0x4], $0x800, $0x38;
	[tilespmem:$0x1080] =	vst v63  }
.Ltmp0:
0x1a: {  	_ =	swait.ge [sflag:s14], $0x800;
	(pc) =	sbr.rel @!p0 .LBB2_2-.Ltmp0, $4  }
0x1b: {  	[sflag:s14] =	ssyncset.done $0x0  }
0x1c: {  	s15 =	simm.s32 $0x4;
	[sflag:s14] =	ssyncadd.s32 $0xFFFFF800  }
0x1d: {  	_ =	swait.ge [sflag:s15], $0x800  }
0x1e: {  	s16 =	sadd.s32 $0xFFFFFFFF, s16;
	[sflag:s15] =	ssyncset.done $0x0  }
.LBB2_1:
0x1f: {  	p0 =	sne.s32 s16, $0x1;
	s16 =	sadd.s32 $0xFFFFFFFF, s16;
	[sflag:s15] =	ssyncadd.s32 $0xFFFFF800  }
0x20: {  	[tilespmem:s3], [sflag:$0x5] =	stream.linear.gather [hbm4b:s4+s3], $0x40, $0x38;
	[tilespmem:$0x1080] =	vst v63  }
0x21: {  	_ =	swait.ge [sflag:s5], $0x40  }
0x22: {  	[sflag:s5] =	ssyncset.done $0x0  }
0x23: {  	[sflag:s5] =	ssyncadd.s32 $0xFFFFFFC0  }
0x24: {  	[tilespmem:s7], [sflag:$0x1] =	stream.indirect.gather [hbm4b:s2+s6], $0x20, s3, s6, $0xb8;
	[tilespmem:$0x1080] =	vst v63  }
0x25: {  	_ = 	snop  }
0x26: {  	[tilespmem:s6], [sflag:$0x5] =	stream.linear.gather [hbm4b:s8+s3], $0x40, $0x38;
	[tilespmem:$0x1080] =	vst v63  }
0x27: {  	_ =	swait.ge [sflag:s5], $0x40  }
0x28: {  	[sflag:s5] =	ssyncset.done $0x0  }
0x29: {  	[sflag:s5] =	ssyncadd.s32 $0xFFFFFFC0  }
0x2a: {  	[tilespmem:s9], [sflag:$0x2] =	stream.indirect.gather [hbm4b:s2+s6], $0x20, s6, s6, $0xb8;
	[tilespmem:$0x1080] =	vst v63  }
0x2b: {  	_ =	swait.ge [sflag:s10], $0x800  }
0x2c: {  	[sflag:s10] =	ssyncset.done $0x0  }
0x2d: {  	[sflag:s10] =	ssyncadd.s32 $0xFFFFF800  }
0x2e: {  	[hbm4b:s11+s3] =	stream.linear.scatter [tilespmem:s7], [sflag:$0x3], $0x800, $0x38;
	[tilespmem:$0x1080] =	vst v63  }
0x2f: {  	_ =	swait.ge [sflag:s12], $0x800  }
0x30: {  	[sflag:s12] =	ssyncset.done $0x0  }
0x31: {  	[sflag:s12] =	ssyncadd.s32 $0xFFFFF800  }
0x32: {  	[hbm4b:s13+s3] =	stream.linear.scatter [tilespmem:s9], [sflag:$0x4], $0x800, $0x38;
	[tilespmem:$0x1080] =	vst v63  }
.Ltmp1:
0x33: {  	_ =	swait.ge [sflag:s14], $0x800;
	(pc) =	sbr.rel @p0 .LBB2_1-.Ltmp1, $4  }
0x34: {  	[sflag:s14] =	ssyncset.done $0x0  }
0x35: {  	[sflag:s14] =	ssyncadd.s32 $0xFFFFF800  }
0x36: {  	_ =	swait.ge [sflag:s15], $0x800  }
0x37: {  	[sflag:s15] =	ssyncset.done $0x0  }
.LBB2_2:
0x38: {  	[sflag:s15] =	ssyncadd.s32 $0xFFFFF800  }
0x39: {  	_ =	sfence.sel $0x180000  }
0x3a: {  	[bflag:$0x0] =	sbarrier.arrive $0xFFFF  }
0x3b: {  	p0 =	sne.s32 s0, $0x0;
	_ =	strace $0x90000047  }
0x3c: {  	s0 =	sadd.s32 @!p0 $0x100000, s1;
	[bflag:$0x2] =	sbarrier.arrive $0xFFFF  }
0x3d: {  	[sflag:s0] =	ssyncadd.tile.s32 @!p0 $0x1;
	_ =	shalt  }
.Lfunc_end2:
_tile_overlayer_lowered:
.L_overlay_start_2:
0x3e: {  	(tag) =	ssettag $0x2  }
0x3f: {  	s0 =	rddreg [dreg:$0x0];
	s2 =	stileid.u32  }
0x40: {  	s1 =	rddreg [dreg:$0x1];
	p0 =	sne.s32 s2, $0x0  }
0x41: {  	s3 =	rddreg [dreg:$0x2];
	[bflag:$0x3] =	sbarrier.arrive $0xFFFF;
	s2 =	simm.s32 @!p0 $0x1C05  }
0x42: {  	[timem:s3], [sflag:s2] =	dma.local @!p0 [hbm:s0], s1  }
0x43: {  	s0 =	simm.s32 @!p0 $0x5  }
0x44: {  	_ =	swait.ge @!p0 [sflag:s0], s1  }
0x45: {  	s1 =	ssub.s32 @!p0 $0x0, s1;
	[sflag:s0] =	ssyncset.done @!p0 $0x0  }
0x46: {  	[sflag:s0] =	ssyncadd.s32 @!p0 s1  }
0x47: {  	[bflag:$0x3] =	sbarrier.arrive $0xFFFF  }
0x48: {  	_ =	shalt  }

</sc_bundles>
